<compile_context>
chip_gen: v7x
topology: tpu7x:2x2x1
jax: 0.10.2.dev20260603
libtpu: 0.0.44.dev20260713+nightly
codegen_flags: <defaults>
</compile_context>

<pallas_src>
import functools

import jax
import jax.numpy as jnp
from jax import lax
from jax.experimental import pallas as pl
from jax.experimental.pallas import tpu as pltpu
from jax.experimental.pallas import tpu_sc as plsc

B = 1024
T = 200
DIM = 128
VOCAB = 1000

NC = 2
NS = 16
L = 16
NW = NC * NS

N_ROWS = B * T
ROWS_PER_W = N_ROWS // NW
CHUNK = 128
N_CHUNKS = ROWS_PER_W // CHUNK
VECS_PER_CHUNK = CHUNK // L
NBUF = 5
AHEAD = 3
N_GROUPS = N_CHUNKS // NBUF
STAGE_ROWS = 64


def _gather_body(idx_hbm, t0_hbm, t1_hbm, t2_hbm, t3_hbm, out_hbm,
                 raw_v, idx_v, table_sp,
                 b0, b1, b2, b3, b4,
                 g0, g1, g2, g3, g4, w0, w1, w2, w3, w4, tsem):
    bufs = [b0, b1, b2, b3, b4]
    gsems = [g0, g1, g2, g3, g4]
    wsems = [w0, w1, w2, w3, w4]
    tables = [t0_hbm, t1_hbm, t2_hbm, t3_hbm]

    sid = lax.axis_index("s")
    wid = sid * NC + lax.axis_index("c")
    base = wid * ROWS_PER_W

    @pl.when(sid < NS - 1)
    def _():
        for q, t in enumerate(tables):
            pltpu.async_copy(
                t.at[pl.ds(sid * STAGE_ROWS, STAGE_ROWS)],
                table_sp.at[pl.ds(q * VOCAB + sid * STAGE_ROWS, STAGE_ROWS)],
                tsem)

    @pl.when(sid == NS - 1)
    def _():
        rem = VOCAB - (NS - 1) * STAGE_ROWS
        for q, t in enumerate(tables):
            pltpu.async_copy(
                t.at[pl.ds((NS - 1) * STAGE_ROWS, rem)],
                table_sp.at[pl.ds(q * VOCAB + (NS - 1) * STAGE_ROWS, rem)],
                tsem)

    pltpu.sync_copy(idx_hbm.at[pl.ds(base, ROWS_PER_W)], raw_v)
    off = (lax.iota(jnp.int32, L) % 4) * VOCAB

    def idx_body(k, carry):
        for j in range(VECS_PER_CHUNK):
            idx_v[k, pl.ds(j * L, L)] = (
                raw_v[pl.ds(k * CHUNK + j * L, L)] + off)
        return carry

    lax.fori_loop(0, N_CHUNKS, idx_body, 0, unroll=False)

    @pl.when(sid < NS - 1)
    def _():
        for q in range(4):
            pltpu.make_async_copy(
                tables[q].at[pl.ds(0, STAGE_ROWS)],
                table_sp.at[pl.ds(0, STAGE_ROWS)], tsem).wait()

    @pl.when(sid == NS - 1)
    def _():
        rem = VOCAB - (NS - 1) * STAGE_ROWS
        for q in range(4):
            pltpu.make_async_copy(
                tables[q].at[pl.ds(0, rem)],
                table_sp.at[pl.ds(0, rem)], tsem).wait()

    plsc.subcore_barrier()

    def fire_gather(k, p):
        pltpu.async_copy(table_sp.at[idx_v.at[k % N_CHUNKS]], bufs[p],
                         gsems[p])

    def wait_gather(k, p):
        pltpu.make_async_copy(table_sp.at[idx_v.at[k % N_CHUNKS]], bufs[p],
                              gsems[p]).wait()

    def fire_write(k, p):
        pltpu.async_copy(bufs[p],
                         out_hbm.at[pl.ds(base + (k % N_CHUNKS) * CHUNK,
                                          CHUNK)], wsems[p])

    def wait_write(p):
        pltpu.make_async_copy(bufs[p], out_hbm.at[pl.ds(base, CHUNK)],
                              wsems[p]).wait()

    for k in range(AHEAD):
        fire_gather(k, k)

    def group_body(g, carry):
        for p in range(NBUF):
            k = g * NBUF + p
            fp = (p + AHEAD) % NBUF

            wait_gather(k, p)
            fire_write(k, p)

            @pl.when(jnp.logical_and(k + AHEAD >= NBUF,
                                     k + AHEAD < N_CHUNKS))
            def _():
                wait_write(fp)

            @pl.when(k + AHEAD < N_CHUNKS)
            def _():
                fire_gather(k + AHEAD, fp)
        return carry

    lax.fori_loop(0, N_GROUPS, group_body, 0, unroll=False)

    for p in range(NBUF):
        wait_write(p)


@jax.jit
def _rvq_embed(idx_flat, t0, t1, t2, t3):
    mesh = plsc.VectorSubcoreMesh(core_axis_name="c", subcore_axis_name="s")
    run = functools.partial(
        pl.kernel,
        out_type=jax.ShapeDtypeStruct((N_ROWS, DIM), jnp.float32),
        mesh=mesh,
        scratch_types=[
            pltpu.VMEM((ROWS_PER_W,), jnp.int32),
            pltpu.VMEM((N_CHUNKS, CHUNK), jnp.int32),
            pltpu.VMEM_SHARED((4 * VOCAB, DIM), jnp.float32),
        ] + [pltpu.VMEM((CHUNK, DIM), jnp.float32) for _ in range(NBUF)]
          + [pltpu.SemaphoreType.DMA for _ in range(2 * NBUF + 1)],
    )(_gather_body)
    return run(idx_flat, t0, t1, t2, t3)


def kernel(x, W0, W1, W2, W3):
    idx_flat = x.reshape(-1).astype(jnp.int32)
    out = _rvq_embed(idx_flat, W3, W0, W1, W2)
    return out.reshape(B, T, DIM)

# --- scband reference (transcript-rebuilt; emitter-appended) ---
"""Pipeline reference for scband-rvqmulti-embedding-76639396430533 (READ-ONLY COPY).

The authoritative reference and input builder live on the scoring server;
editing this copy changes nothing except your own understanding.
"""

import jax, jax.numpy as jnp
import numpy as np

B = 1024
T = 200
DIM = 128
VOCAB = 1000
N_FEATURES = 4


def setup_inputs(seed: int = 0) -> dict:
    key = jax.random.key(seed)
    kx, k0, k1, k2, k3 = jax.random.split(key, 5)
    x = jax.random.randint(kx, (B, T), 0, VOCAB, dtype=jnp.int64)
    W0 = jax.random.normal(k0, (VOCAB, DIM), dtype=jnp.float32)
    W1 = jax.random.normal(k1, (VOCAB, DIM), dtype=jnp.float32)
    W2 = jax.random.normal(k2, (VOCAB, DIM), dtype=jnp.float32)
    W3 = jax.random.normal(k3, (VOCAB, DIM), dtype=jnp.float32)
    return {"x": x, "W0": W0, "W1": W1, "W2": W2, "W3": W3}


def reference(x, W0, W1, W2, W3):
    tables = [W0, W1, W2, W3]
    embeddings = jnp.zeros((x.shape[0], x.shape[1], DIM), dtype=jnp.float32)
    for idx in range(N_FEATURES):
        start = (idx + 1) % 4
        tok = x[:, start::4]                      # int64[B, T//4]
        emb = jnp.take(tables[idx], tok, axis=0)  # gather -> [B, T//4, DIM]
        embeddings = embeddings.at[:, start::4].set(emb)
    return embeddings

if __name__ == "__main__":
    import jax
    _d = setup_inputs()
    print(jax.jit(kernel)(*tuple(_d.values())))

</pallas_src>

<mosaic_0001>
#map = affine_map<(d0, d1) -> (0)>
#map1 = affine_map<(d0, d1) -> (0, 0)>
module attributes {stable_mosaic.version = 14 : i64} {
  func.func @_gather_body(%arg0: i32, %arg1: i32, %arg2: memref<204800xi32, #tpu.memory_space<hbm>>, %arg3: memref<1000x128xf32, #tpu.memory_space<hbm>>, %arg4: memref<1000x128xf32, #tpu.memory_space<hbm>>, %arg5: memref<1000x128xf32, #tpu.memory_space<hbm>>, %arg6: memref<1000x128xf32, #tpu.memory_space<hbm>>, %arg7: memref<204800x128xf32, #tpu.memory_space<hbm>>, %arg8: memref<6400xi32, #tpu.memory_space<vmem>>, %arg9: memref<50x128xi32, #tpu.memory_space<vmem>>, %arg10: memref<4000x128xf32, #tpu.memory_space<vmem_shared>>, %arg11: memref<128x128xf32, #tpu.memory_space<vmem>>, %arg12: memref<128x128xf32, #tpu.memory_space<vmem>>, %arg13: memref<128x128xf32, #tpu.memory_space<vmem>>, %arg14: memref<128x128xf32, #tpu.memory_space<vmem>>, %arg15: memref<128x128xf32, #tpu.memory_space<vmem>>, %arg16: memref<!tpu.dma_semaphore, #tpu.memory_space<semaphore_mem>>, %arg17: memref<!tpu.dma_semaphore, #tpu.memory_space<semaphore_mem>>, %arg18: memref<!tpu.dma_semaphore, #tpu.memory_space<semaphore_mem>>, %arg19: memref<!tpu.dma_semaphore, #tpu.memory_space<semaphore_mem>>, %arg20: memref<!tpu.dma_semaphore, #tpu.memory_space<semaphore_mem>>, %arg21: memref<!tpu.dma_semaphore, #tpu.memory_space<semaphore_mem>>, %arg22: memref<!tpu.dma_semaphore, #tpu.memory_space<semaphore_mem>>, %arg23: memref<!tpu.dma_semaphore, #tpu.memory_space<semaphore_mem>>, %arg24: memref<!tpu.dma_semaphore, #tpu.memory_space<semaphore_mem>>, %arg25: memref<!tpu.dma_semaphore, #tpu.memory_space<semaphore_mem>>, %arg26: memref<!tpu.dma_semaphore, #tpu.memory_space<semaphore_mem>>) attributes {dimension_semantics = [#tpu.dimension_semantics<core_parallel>, #tpu.dimension_semantics<subcore_parallel>], iteration_bounds = array<i64: 2, 16>, scalar_prefetch = 0 : i64, scratch_operands = 19 : i64, tpu.core_type = #tpu.core_type<sc_vector_subcore>, window_params = [{transform_indices = #map}, {transform_indices = #map1}, {transform_indices = #map1}, {transform_indices = #map1}, {transform_indices = #map1}, {transform_indices = #map1}]} {
    %mul3A = arith.constant 2 : i32
    %mul3A_0 = arith.muli %arg1, %mul3A : i32
    %add3A = arith.addi %mul3A_0, %arg0 : i32
    %mul3A_1 = arith.constant 6400 : i32
    %mul3A_2 = arith.muli %add3A, %mul3A_1 : i32
    %lt3A = arith.constant 15 : i32
    %lt3A_3 = arith.cmpi slt, %arg1, %lt3A : i32
    %convert_element_type3A = arith.extui %lt3A_3 : i1 to i32
    %cond3A = arith.constant 0 : i32
    %cond3A_4 = arith.cmpi ne, %convert_element_type3A, %cond3A : i32
    scf.if %cond3A_4 {
      %mul3A_89 = arith.constant 64 : i32
      %mul3A_90 = arith.muli %arg1, %mul3A_89 : i32
      %mul3A_91 = arith.constant 64 : i32
      %mul3A_92 = arith.muli %arg1, %mul3A_91 : i32
      %add3A_93 = arith.constant 0 : i32
      %add3A_94 = arith.addi %add3A_93, %mul3A_92 : i32
      %dma_start3A_95 = arith.constant 0 : i32
      %dma_start3A_96 = tpu.memref_slice %arg10[%add3A_94, %dma_start3A_95] : memref<4000x128xf32, #tpu.memory_space<vmem_shared>> -> memref<64x128xf32, #tpu.memory_space<vmem_shared>>
      %dma_start3A_97 = arith.constant 0 : i32
      %dma_start3A_98 = tpu.memref_slice %arg3[%mul3A_90, %dma_start3A_97] : memref<1000x128xf32, #tpu.memory_space<hbm>> -> memref<64x128xf32, #tpu.memory_space<hbm>>
      tpu.enqueue_dma source(%dma_start3A_98 : memref<64x128xf32, #tpu.memory_space<hbm>>) target(%dma_start3A_96 : memref<64x128xf32, #tpu.memory_space<vmem_shared>>) target_semaphore(%arg26 : memref<!tpu.dma_semaphore, #tpu.memory_space<semaphore_mem>>)
      %mul3A_99 = arith.constant 64 : i32
      %mul3A_100 = arith.muli %arg1, %mul3A_99 : i32
      %mul3A_101 = arith.constant 64 : i32
      %mul3A_102 = arith.muli %arg1, %mul3A_101 : i32
      %add3A_103 = arith.constant 1000 : i32
      %add3A_104 = arith.addi %add3A_103, %mul3A_102 : i32
      %dma_start3A_105 = arith.constant 0 : i32
      %dma_start3A_106 = tpu.memref_slice %arg10[%add3A_104, %dma_start3A_105] : memref<4000x128xf32, #tpu.memory_space<vmem_shared>> -> memref<64x128xf32, #tpu.memory_space<vmem_shared>>
      %dma_start3A_107 = arith.constant 0 : i32
      %dma_start3A_108 = tpu.memref_slice %arg4[%mul3A_100, %dma_start3A_107] : memref<1000x128xf32, #tpu.memory_space<hbm>> -> memref<64x128xf32, #tpu.memory_space<hbm>>
      tpu.enqueue_dma source(%dma_start3A_108 : memref<64x128xf32, #tpu.memory_space<hbm>>) target(%dma_start3A_106 : memref<64x128xf32, #tpu.memory_space<vmem_shared>>) target_semaphore(%arg26 : memref<!tpu.dma_semaphore, #tpu.memory_space<semaphore_mem>>)
      %mul3A_109 = arith.constant 64 : i32
      %mul3A_110 = arith.muli %arg1, %mul3A_109 : i32
      %mul3A_111 = arith.constant 64 : i32
      %mul3A_112 = arith.muli %arg1, %mul3A_111 : i32
      %add3A_113 = arith.constant 2000 : i32
      %add3A_114 = arith.addi %add3A_113, %mul3A_112 : i32
      %dma_start3A_115 = arith.constant 0 : i32
      %dma_start3A_116 = tpu.memref_slice %arg10[%add3A_114, %dma_start3A_115] : memref<4000x128xf32, #tpu.memory_space<vmem_shared>> -> memref<64x128xf32, #tpu.memory_space<vmem_shared>>
      %dma_start3A_117 = arith.constant 0 : i32
      %dma_start3A_118 = tpu.memref_slice %arg5[%mul3A_110, %dma_start3A_117] : memref<1000x128xf32, #tpu.memory_space<hbm>> -> memref<64x128xf32, #tpu.memory_space<hbm>>
      tpu.enqueue_dma source(%dma_start3A_118 : memref<64x128xf32, #tpu.memory_space<hbm>>) target(%dma_start3A_116 : memref<64x128xf32, #tpu.memory_space<vmem_shared>>) target_semaphore(%arg26 : memref<!tpu.dma_semaphore, #tpu.memory_space<semaphore_mem>>)
      %mul3A_119 = arith.constant 64 : i32
      %mul3A_120 = arith.muli %arg1, %mul3A_119 : i32
      %mul3A_121 = arith.constant 64 : i32
      %mul3A_122 = arith.muli %arg1, %mul3A_121 : i32
      %add3A_123 = arith.constant 3000 : i32
      %add3A_124 = arith.addi %add3A_123, %mul3A_122 : i32
      %dma_start3A_125 = arith.constant 0 : i32
      %dma_start3A_126 = tpu.memref_slice %arg10[%add3A_124, %dma_start3A_125] : memref<4000x128xf32, #tpu.memory_space<vmem_shared>> -> memref<64x128xf32, #tpu.memory_space<vmem_shared>>
      %dma_start3A_127 = arith.constant 0 : i32
      %dma_start3A_128 = tpu.memref_slice %arg6[%mul3A_120, %dma_start3A_127] : memref<1000x128xf32, #tpu.memory_space<hbm>> -> memref<64x128xf32, #tpu.memory_space<hbm>>
      tpu.enqueue_dma source(%dma_start3A_128 : memref<64x128xf32, #tpu.memory_space<hbm>>) target(%dma_start3A_126 : memref<64x128xf32, #tpu.memory_space<vmem_shared>>) target_semaphore(%arg26 : memref<!tpu.dma_semaphore, #tpu.memory_space<semaphore_mem>>)
    } else {
    }
    %eq3A = arith.constant 15 : i32
    %eq3A_5 = arith.cmpi eq, %arg1, %eq3A : i32
    %convert_element_type3A_6 = arith.extui %eq3A_5 : i1 to i32
    %cond3A_7 = arith.constant 0 : i32
    %cond3A_8 = arith.cmpi ne, %convert_element_type3A_6, %cond3A_7 : i32
    scf.if %cond3A_8 {
      %dma_start3A_89 = arith.constant 960 : i32
      %dma_start3A_90 = arith.constant 0 : i32
      %dma_start3A_91 = tpu.memref_slice %arg10[%dma_start3A_89, %dma_start3A_90] : memref<4000x128xf32, #tpu.memory_space<vmem_shared>> -> memref<40x128xf32, #tpu.memory_space<vmem_shared>>
      %dma_start3A_92 = arith.constant 960 : i32
      %dma_start3A_93 = arith.constant 0 : i32
      %dma_start3A_94 = tpu.memref_slice %arg3[%dma_start3A_92, %dma_start3A_93] : memref<1000x128xf32, #tpu.memory_space<hbm>> -> memref<40x128xf32, #tpu.memory_space<hbm>>
      tpu.enqueue_dma source(%dma_start3A_94 : memref<40x128xf32, #tpu.memory_space<hbm>>) target(%dma_start3A_91 : memref<40x128xf32, #tpu.memory_space<vmem_shared>>) target_semaphore(%arg26 : memref<!tpu.dma_semaphore, #tpu.memory_space<semaphore_mem>>)
      %dma_start3A_95 = arith.constant 1960 : i32
      %dma_start3A_96 = arith.constant 0 : i32
      %dma_start3A_97 = tpu.memref_slice %arg10[%dma_start3A_95, %dma_start3A_96] : memref<4000x128xf32, #tpu.memory_space<vmem_shared>> -> memref<40x128xf32, #tpu.memory_space<vmem_shared>>
      %dma_start3A_98 = arith.constant 960 : i32
      %dma_start3A_99 = arith.constant 0 : i32
      %dma_start3A_100 = tpu.memref_slice %arg4[%dma_start3A_98, %dma_start3A_99] : memref<1000x128xf32, #tpu.memory_space<hbm>> -> memref<40x128xf32, #tpu.memory_space<hbm>>
      tpu.enqueue_dma source(%dma_start3A_100 : memref<40x128xf32, #tpu.memory_space<hbm>>) target(%dma_start3A_97 : memref<40x128xf32, #tpu.memory_space<vmem_shared>>) target_semaphore(%arg26 : memref<!tpu.dma_semaphore, #tpu.memory_space<semaphore_mem>>)
      %dma_start3A_101 = arith.constant 2960 : i32
      %dma_start3A_102 = arith.constant 0 : i32
      %dma_start3A_103 = tpu.memref_slice %arg10[%dma_start3A_101, %dma_start3A_102] : memref<4000x128xf32, #tpu.memory_space<vmem_shared>> -> memref<40x128xf32, #tpu.memory_space<vmem_shared>>
      %dma_start3A_104 = arith.constant 960 : i32
      %dma_start3A_105 = arith.constant 0 : i32
      %dma_start3A_106 = tpu.memref_slice %arg5[%dma_start3A_104, %dma_start3A_105] : memref<1000x128xf32, #tpu.memory_space<hbm>> -> memref<40x128xf32, #tpu.memory_space<hbm>>
      tpu.enqueue_dma source(%dma_start3A_106 : memref<40x128xf32, #tpu.memory_space<hbm>>) target(%dma_start3A_103 : memref<40x128xf32, #tpu.memory_space<vmem_shared>>) target_semaphore(%arg26 : memref<!tpu.dma_semaphore, #tpu.memory_space<semaphore_mem>>)
      %dma_start3A_107 = arith.constant 3960 : i32
      %dma_start3A_108 = arith.constant 0 : i32
      %dma_start3A_109 = tpu.memref_slice %arg10[%dma_start3A_107, %dma_start3A_108] : memref<4000x128xf32, #tpu.memory_space<vmem_shared>> -> memref<40x128xf32, #tpu.memory_space<vmem_shared>>
      %dma_start3A_110 = arith.constant 960 : i32
      %dma_start3A_111 = arith.constant 0 : i32
      %dma_start3A_112 = tpu.memref_slice %arg6[%dma_start3A_110, %dma_start3A_111] : memref<1000x128xf32, #tpu.memory_space<hbm>> -> memref<40x128xf32, #tpu.memory_space<hbm>>
      tpu.enqueue_dma source(%dma_start3A_112 : memref<40x128xf32, #tpu.memory_space<hbm>>) target(%dma_start3A_109 : memref<40x128xf32, #tpu.memory_space<vmem_shared>>) target_semaphore(%arg26 : memref<!tpu.dma_semaphore, #tpu.memory_space<semaphore_mem>>)
    } else {
    }
    "tpu.region"() ({
      %run_scoped3A = tpu.sem_alloc : memref<!tpu.dma_semaphore, #tpu.memory_space<semaphore_mem>>
      %dma_start3A_89 = tpu.memref_slice %arg2[%mul3A_2] : memref<204800xi32, #tpu.memory_space<hbm>> -> memref<6400xi32, #tpu.memory_space<hbm>>
      %dma_start3A_90 = tpu.memref_slice %arg2[%mul3A_2] : memref<204800xi32, #tpu.memory_space<hbm>> -> memref<6400xi32, #tpu.memory_space<hbm>>
      tpu.enqueue_dma source(%dma_start3A_90 : memref<6400xi32, #tpu.memory_space<hbm>>) target(%arg8 : memref<6400xi32, #tpu.memory_space<vmem>>) target_semaphore(%run_scoped3A : memref<!tpu.dma_semaphore, #tpu.memory_space<semaphore_mem>>)
      %dma_wait3A_91 = tpu.memref_slice %arg2[%mul3A_2] : memref<204800xi32, #tpu.memory_space<hbm>> -> memref<6400xi32, #tpu.memory_space<hbm>>
      %dma_wait3A_92 = tpu.memref_slice %arg2[%mul3A_2] : memref<204800xi32, #tpu.memory_space<hbm>> -> memref<6400xi32, #tpu.memory_space<hbm>>
      tpu.wait_dma2 semaphore(%run_scoped3A : memref<!tpu.dma_semaphore, #tpu.memory_space<semaphore_mem>>) src(%dma_wait3A_92 : memref<6400xi32, #tpu.memory_space<hbm>>) dst(%arg8 : memref<6400xi32, #tpu.memory_space<vmem>>)
      tpu.yield
    }) : () -> ()
    %iota3A = tpu.iota {dimensions = array<i32: 0>} : vector<16xi32>
    %jit3A = arith.constant 4 : i32
    %eq3A_9 = arith.constant 0 : i32
    %eq3A_10 = arith.cmpi eq, %jit3A, %eq3A_9 : i32
    %jit3A_11 = arith.constant 1 : i32
    %select_n3A = arith.select %eq3A_10, %jit3A_11, %jit3A : i32
    %rem3A = vector.broadcast %select_n3A : i32 to vector<16xi32>
    %rem3A_12 = arith.remsi %iota3A, %rem3A : vector<16xi32>
    %ne3A = arith.constant 0 : i32
    %ne3A_13 = vector.broadcast %ne3A : i32 to vector<16xi32>
    %ne3A_14 = arith.cmpi ne, %rem3A_12, %ne3A_13 : vector<16xi32>
    %lt3A_15 = arith.constant 0 : i32
    %lt3A_16 = vector.broadcast %lt3A_15 : i32 to vector<16xi32>
    %lt3A_17 = arith.cmpi slt, %rem3A_12, %lt3A_16 : vector<16xi32>
    %lt3A_18 = arith.constant 0 : i32
    %lt3A_19 = arith.cmpi slt, %select_n3A, %lt3A_18 : i32
    %ne3A_20 = vector.broadcast %lt3A_19 : i1 to vector<16xi1>
    %ne3A_21 = vector.broadcast %ne3A_20 : vector<16xi1> to vector<16xi1>
    %ne3A_22 = arith.xori %lt3A_17, %ne3A_21 : vector<16xi1>
    %and3A = arith.andi %ne3A_22, %ne3A_14 : vector<16xi1>
    %add3A_23 = vector.broadcast %select_n3A : i32 to vector<16xi32>
    %add3A_24 = arith.addi %rem3A_12, %add3A_23 : vector<16xi32>
    %select_n3A_25 = arith.select %and3A, %add3A_24, %rem3A_12 : vector<16xi1>, vector<16xi32>
    %mul3A_26 = arith.constant 1000 : i32
    %mul3A_27 = vector.broadcast %mul3A_26 : i32 to vector<16xi32>
    %mul3A_28 = arith.muli %select_n3A_25, %mul3A_27 : vector<16xi32>
    %scan3A = arith.constant 0 : i32
    %scan3A_29 = arith.constant 0 : i32
    %scan3A_30 = arith.constant 50 : i32
    %scan3A_31 = arith.addi %scan3A_29, %scan3A_30 : i32
    %scan3A_32 = arith.constant 1 : i32
    scf.for %scan3A_89 = %scan3A_29 to %scan3A_31 step %scan3A_32  : i32 {
      %mul3A_90 = arith.constant 128 : i32
      %mul3A_91 = arith.muli %scan3A_89, %mul3A_90 : i32
      %add3A_92 = arith.constant 0 : i32
      %add3A_93 = arith.addi %mul3A_91, %add3A_92 : i32
      %get3A = arith.index_cast %add3A_93 : i32 to index
      %get3A_94 = tpu.vector_load %arg8[%get3A] {strides = array<i32>} : memref<6400xi32, #tpu.memory_space<vmem>>, vector<16xi32>,
      %get3A_95 = vector.shape_cast %get3A_94 : vector<16xi32> to vector<16xi32>
      %add3A_96 = arith.addi %get3A_95, %mul3A_28 : vector<16xi32>
      %swap3A = arith.index_cast %scan3A_89 : i32 to index
      %swap3A_97 = arith.constant 0 : index
      %swap3A_98 = tpu.vector_load %arg9[%swap3A, %swap3A_97] {strides = array<i32>} : memref<50x128xi32, #tpu.memory_space<vmem>>, vector<1x16xi32>,
      %swap3A_99 = vector.shape_cast %swap3A_98 : vector<1x16xi32> to vector<16xi32>
      %swap3A_100 = vector.shape_cast %add3A_96 : vector<16xi32> to vector<1x16xi32>
      tpu.vector_store %arg9[%swap3A, %swap3A_97], %swap3A_100 {strides = array<i32>} : memref<50x128xi32, #tpu.memory_space<vmem>>, vector<1x16xi32>,
      %mul3A_101 = arith.constant 128 : i32
      %mul3A_102 = arith.muli %scan3A_89, %mul3A_101 : i32
      %add3A_103 = arith.constant 16 : i32
      %add3A_104 = arith.addi %mul3A_102, %add3A_103 : i32
      %get3A_105 = arith.index_cast %add3A_104 : i32 to index
      %get3A_106 = tpu.vector_load %arg8[%get3A_105] {strides = array<i32>} : memref<6400xi32, #tpu.memory_space<vmem>>, vector<16xi32>,
      %get3A_107 = vector.shape_cast %get3A_106 : vector<16xi32> to vector<16xi32>
      %add3A_108 = arith.addi %get3A_107, %mul3A_28 : vector<16xi32>
      %swap3A_109 = arith.index_cast %scan3A_89 : i32 to index
      %swap3A_110 = arith.constant 16 : index
      %swap3A_111 = tpu.vector_load %arg9[%swap3A_109, %swap3A_110] {strides = array<i32>} : memref<50x128xi32, #tpu.memory_space<vmem>>, vector<1x16xi32>,
      %swap3A_112 = vector.shape_cast %swap3A_111 : vector<1x16xi32> to vector<16xi32>
      %swap3A_113 = vector.shape_cast %add3A_108 : vector<16xi32> to vector<1x16xi32>
      tpu.vector_store %arg9[%swap3A_109, %swap3A_110], %swap3A_113 {strides = array<i32>} : memref<50x128xi32, #tpu.memory_space<vmem>>, vector<1x16xi32>,
      %mul3A_114 = arith.constant 128 : i32
      %mul3A_115 = arith.muli %scan3A_89, %mul3A_114 : i32
      %add3A_116 = arith.constant 32 : i32
      %add3A_117 = arith.addi %mul3A_115, %add3A_116 : i32
      %get3A_118 = arith.index_cast %add3A_117 : i32 to index
      %get3A_119 = tpu.vector_load %arg8[%get3A_118] {strides = array<i32>} : memref<6400xi32, #tpu.memory_space<vmem>>, vector<16xi32>,
      %get3A_120 = vector.shape_cast %get3A_119 : vector<16xi32> to vector<16xi32>
      %add3A_121 = arith.addi %get3A_120, %mul3A_28 : vector<16xi32>
      %swap3A_122 = arith.index_cast %scan3A_89 : i32 to index
      %swap3A_123 = arith.constant 32 : index
      %swap3A_124 = tpu.vector_load %arg9[%swap3A_122, %swap3A_123] {strides = array<i32>} : memref<50x128xi32, #tpu.memory_space<vmem>>, vector<1x16xi32>,
      %swap3A_125 = vector.shape_cast %swap3A_124 : vector<1x16xi32> to vector<16xi32>
      %swap3A_126 = vector.shape_cast %add3A_121 : vector<16xi32> to vector<1x16xi32>
      tpu.vector_store %arg9[%swap3A_122, %swap3A_123], %swap3A_126 {strides = array<i32>} : memref<50x128xi32, #tpu.memory_space<vmem>>, vector<1x16xi32>,
      %mul3A_127 = arith.constant 128 : i32
      %mul3A_128 = arith.muli %scan3A_89, %mul3A_127 : i32
      %add3A_129 = arith.constant 48 : i32
      %add3A_130 = arith.addi %mul3A_128, %add3A_129 : i32
      %get3A_131 = arith.index_cast %add3A_130 : i32 to index
      %get3A_132 = tpu.vector_load %arg8[%get3A_131] {strides = array<i32>} : memref<6400xi32, #tpu.memory_space<vmem>>, vector<16xi32>,
      %get3A_133 = vector.shape_cast %get3A_132 : vector<16xi32> to vector<16xi32>
      %add3A_134 = arith.addi %get3A_133, %mul3A_28 : vector<16xi32>
      %swap3A_135 = arith.index_cast %scan3A_89 : i32 to index
      %swap3A_136 = arith.constant 48 : index
      %swap3A_137 = tpu.vector_load %arg9[%swap3A_135, %swap3A_136] {strides = array<i32>} : memref<50x128xi32, #tpu.memory_space<vmem>>, vector<1x16xi32>,
      %swap3A_138 = vector.shape_cast %swap3A_137 : vector<1x16xi32> to vector<16xi32>
      %swap3A_139 = vector.shape_cast %add3A_134 : vector<16xi32> to vector<1x16xi32>
      tpu.vector_store %arg9[%swap3A_135, %swap3A_136], %swap3A_139 {strides = array<i32>} : memref<50x128xi32, #tpu.memory_space<vmem>>, vector<1x16xi32>,
      %mul3A_140 = arith.constant 128 : i32
      %mul3A_141 = arith.muli %scan3A_89, %mul3A_140 : i32
      %add3A_142 = arith.constant 64 : i32
      %add3A_143 = arith.addi %mul3A_141, %add3A_142 : i32
      %get3A_144 = arith.index_cast %add3A_143 : i32 to index
      %get3A_145 = tpu.vector_load %arg8[%get3A_144] {strides = array<i32>} : memref<6400xi32, #tpu.memory_space<vmem>>, vector<16xi32>,
      %get3A_146 = vector.shape_cast %get3A_145 : vector<16xi32> to vector<16xi32>
      %add3A_147 = arith.addi %get3A_146, %mul3A_28 : vector<16xi32>
      %swap3A_148 = arith.index_cast %scan3A_89 : i32 to index
      %swap3A_149 = arith.constant 64 : index
      %swap3A_150 = tpu.vector_load %arg9[%swap3A_148, %swap3A_149] {strides = array<i32>} : memref<50x128xi32, #tpu.memory_space<vmem>>, vector<1x16xi32>,
      %swap3A_151 = vector.shape_cast %swap3A_150 : vector<1x16xi32> to vector<16xi32>
      %swap3A_152 = vector.shape_cast %add3A_147 : vector<16xi32> to vector<1x16xi32>
      tpu.vector_store %arg9[%swap3A_148, %swap3A_149], %swap3A_152 {strides = array<i32>} : memref<50x128xi32, #tpu.memory_space<vmem>>, vector<1x16xi32>,
      %mul3A_153 = arith.constant 128 : i32
      %mul3A_154 = arith.muli %scan3A_89, %mul3A_153 : i32
      %add3A_155 = arith.constant 80 : i32
      %add3A_156 = arith.addi %mul3A_154, %add3A_155 : i32
      %get3A_157 = arith.index_cast %add3A_156 : i32 to index
      %get3A_158 = tpu.vector_load %arg8[%get3A_157] {strides = array<i32>} : memref<6400xi32, #tpu.memory_space<vmem>>, vector<16xi32>,
      %get3A_159 = vector.shape_cast %get3A_158 : vector<16xi32> to vector<16xi32>
      %add3A_160 = arith.addi %get3A_159, %mul3A_28 : vector<16xi32>
      %swap3A_161 = arith.index_cast %scan3A_89 : i32 to index
      %swap3A_162 = arith.constant 80 : index
      %swap3A_163 = tpu.vector_load %arg9[%swap3A_161, %swap3A_162] {strides = array<i32>} : memref<50x128xi32, #tpu.memory_space<vmem>>, vector<1x16xi32>,
      %swap3A_164 = vector.shape_cast %swap3A_163 : vector<1x16xi32> to vector<16xi32>
      %swap3A_165 = vector.shape_cast %add3A_160 : vector<16xi32> to vector<1x16xi32>
      tpu.vector_store %arg9[%swap3A_161, %swap3A_162], %swap3A_165 {strides = array<i32>} : memref<50x128xi32, #tpu.memory_space<vmem>>, vector<1x16xi32>,
      %mul3A_166 = arith.constant 128 : i32
      %mul3A_167 = arith.muli %scan3A_89, %mul3A_166 : i32
      %add3A_168 = arith.constant 96 : i32
      %add3A_169 = arith.addi %mul3A_167, %add3A_168 : i32
      %get3A_170 = arith.index_cast %add3A_169 : i32 to index
      %get3A_171 = tpu.vector_load %arg8[%get3A_170] {strides = array<i32>} : memref<6400xi32, #tpu.memory_space<vmem>>, vector<16xi32>,
      %get3A_172 = vector.shape_cast %get3A_171 : vector<16xi32> to vector<16xi32>
      %add3A_173 = arith.addi %get3A_172, %mul3A_28 : vector<16xi32>
      %swap3A_174 = arith.index_cast %scan3A_89 : i32 to index
      %swap3A_175 = arith.constant 96 : index
      %swap3A_176 = tpu.vector_load %arg9[%swap3A_174, %swap3A_175] {strides = array<i32>} : memref<50x128xi32, #tpu.memory_space<vmem>>, vector<1x16xi32>,
      %swap3A_177 = vector.shape_cast %swap3A_176 : vector<1x16xi32> to vector<16xi32>
      %swap3A_178 = vector.shape_cast %add3A_173 : vector<16xi32> to vector<1x16xi32>
      tpu.vector_store %arg9[%swap3A_174, %swap3A_175], %swap3A_178 {strides = array<i32>} : memref<50x128xi32, #tpu.memory_space<vmem>>, vector<1x16xi32>,
      %mul3A_179 = arith.constant 128 : i32
      %mul3A_180 = arith.muli %scan3A_89, %mul3A_179 : i32
      %add3A_181 = arith.constant 112 : i32
      %add3A_182 = arith.addi %mul3A_180, %add3A_181 : i32
      %get3A_183 = arith.index_cast %add3A_182 : i32 to index
      %get3A_184 = tpu.vector_load %arg8[%get3A_183] {strides = array<i32>} : memref<6400xi32, #tpu.memory_space<vmem>>, vector<16xi32>,
      %get3A_185 = vector.shape_cast %get3A_184 : vector<16xi32> to vector<16xi32>
      %add3A_186 = arith.addi %get3A_185, %mul3A_28 : vector<16xi32>
      %swap3A_187 = arith.index_cast %scan3A_89 : i32 to index
      %swap3A_188 = arith.constant 112 : index
      %swap3A_189 = tpu.vector_load %arg9[%swap3A_187, %swap3A_188] {strides = array<i32>} : memref<50x128xi32, #tpu.memory_space<vmem>>, vector<1x16xi32>,
      %swap3A_190 = vector.shape_cast %swap3A_189 : vector<1x16xi32> to vector<16xi32>
      %swap3A_191 = vector.shape_cast %add3A_186 : vector<16xi32> to vector<1x16xi32>
      tpu.vector_store %arg9[%swap3A_187, %swap3A_188], %swap3A_191 {strides = array<i32>} : memref<50x128xi32, #tpu.memory_space<vmem>>, vector<1x16xi32>,
    }
    %scan3A_33 = arith.constant 50 : i32
    %lt3A_34 = arith.constant 15 : i32
    %lt3A_35 = arith.cmpi slt, %arg1, %lt3A_34 : i32
    %convert_element_type3A_36 = arith.extui %lt3A_35 : i1 to i32
    %cond3A_37 = arith.constant 0 : i32
    %cond3A_38 = arith.cmpi ne, %convert_element_type3A_36, %cond3A_37 : i32
    scf.if %cond3A_38 {
      %dma_wait3A_89 = arith.constant 0 : i32
      %dma_wait3A_90 = arith.constant 0 : i32
      %dma_wait3A_91 = tpu.memref_slice %arg10[%dma_wait3A_89, %dma_wait3A_90] : memref<4000x128xf32, #tpu.memory_space<vmem_shared>> -> memref<64x128xf32, #tpu.memory_space<vmem_shared>>
      %dma_wait3A_92 = arith.constant 0 : i32
      %dma_wait3A_93 = arith.constant 0 : i32
      %dma_wait3A_94 = tpu.memref_slice %arg3[%dma_wait3A_92, %dma_wait3A_93] : memref<1000x128xf32, #tpu.memory_space<hbm>> -> memref<64x128xf32, #tpu.memory_space<hbm>>
      tpu.wait_dma2 semaphore(%arg26 : memref<!tpu.dma_semaphore, #tpu.memory_space<semaphore_mem>>) src(%dma_wait3A_94 : memref<64x128xf32, #tpu.memory_space<hbm>>) dst(%dma_wait3A_91 : memref<64x128xf32, #tpu.memory_space<vmem_shared>>)
      %dma_wait3A_95 = arith.constant 0 : i32
      %dma_wait3A_96 = arith.constant 0 : i32
      %dma_wait3A_97 = tpu.memref_slice %arg10[%dma_wait3A_95, %dma_wait3A_96] : memref<4000x128xf32, #tpu.memory_space<vmem_shared>> -> memref<64x128xf32, #tpu.memory_space<vmem_shared>>
      %dma_wait3A_98 = arith.constant 0 : i32
      %dma_wait3A_99 = arith.constant 0 : i32
      %dma_wait3A_100 = tpu.memref_slice %arg4[%dma_wait3A_98, %dma_wait3A_99] : memref<1000x128xf32, #tpu.memory_space<hbm>> -> memref<64x128xf32, #tpu.memory_space<hbm>>
      tpu.wait_dma2 semaphore(%arg26 : memref<!tpu.dma_semaphore, #tpu.memory_space<semaphore_mem>>) src(%dma_wait3A_100 : memref<64x128xf32, #tpu.memory_space<hbm>>) dst(%dma_wait3A_97 : memref<64x128xf32, #tpu.memory_space<vmem_shared>>)
      %dma_wait3A_101 = arith.constant 0 : i32
      %dma_wait3A_102 = arith.constant 0 : i32
      %dma_wait3A_103 = tpu.memref_slice %arg10[%dma_wait3A_101, %dma_wait3A_102] : memref<4000x128xf32, #tpu.memory_space<vmem_shared>> -> memref<64x128xf32, #tpu.memory_space<vmem_shared>>
      %dma_wait3A_104 = arith.constant 0 : i32
      %dma_wait3A_105 = arith.constant 0 : i32
      %dma_wait3A_106 = tpu.memref_slice %arg5[%dma_wait3A_104, %dma_wait3A_105] : memref<1000x128xf32, #tpu.memory_space<hbm>> -> memref<64x128xf32, #tpu.memory_space<hbm>>
      tpu.wait_dma2 semaphore(%arg26 : memref<!tpu.dma_semaphore, #tpu.memory_space<semaphore_mem>>) src(%dma_wait3A_106 : memref<64x128xf32, #tpu.memory_space<hbm>>) dst(%dma_wait3A_103 : memref<64x128xf32, #tpu.memory_space<vmem_shared>>)
      %dma_wait3A_107 = arith.constant 0 : i32
      %dma_wait3A_108 = arith.constant 0 : i32
      %dma_wait3A_109 = tpu.memref_slice %arg10[%dma_wait3A_107, %dma_wait3A_108] : memref<4000x128xf32, #tpu.memory_space<vmem_shared>> -> memref<64x128xf32, #tpu.memory_space<vmem_shared>>
      %dma_wait3A_110 = arith.constant 0 : i32
      %dma_wait3A_111 = arith.constant 0 : i32
      %dma_wait3A_112 = tpu.memref_slice %arg6[%dma_wait3A_110, %dma_wait3A_111] : memref<1000x128xf32, #tpu.memory_space<hbm>> -> memref<64x128xf32, #tpu.memory_space<hbm>>
      tpu.wait_dma2 semaphore(%arg26 : memref<!tpu.dma_semaphore, #tpu.memory_space<semaphore_mem>>) src(%dma_wait3A_112 : memref<64x128xf32, #tpu.memory_space<hbm>>) dst(%dma_wait3A_109 : memref<64x128xf32, #tpu.memory_space<vmem_shared>>)
    } else {
    }
    %eq3A_39 = arith.constant 15 : i32
    %eq3A_40 = arith.cmpi eq, %arg1, %eq3A_39 : i32
    %convert_element_type3A_41 = arith.extui %eq3A_40 : i1 to i32
    %cond3A_42 = arith.constant 0 : i32
    %cond3A_43 = arith.cmpi ne, %convert_element_type3A_41, %cond3A_42 : i32
    scf.if %cond3A_43 {
      %dma_wait3A_89 = arith.constant 0 : i32
      %dma_wait3A_90 = arith.constant 0 : i32
      %dma_wait3A_91 = tpu.memref_slice %arg10[%dma_wait3A_89, %dma_wait3A_90] : memref<4000x128xf32, #tpu.memory_space<vmem_shared>> -> memref<40x128xf32, #tpu.memory_space<vmem_shared>>
      %dma_wait3A_92 = arith.constant 0 : i32
      %dma_wait3A_93 = arith.constant 0 : i32
      %dma_wait3A_94 = tpu.memref_slice %arg3[%dma_wait3A_92, %dma_wait3A_93] : memref<1000x128xf32, #tpu.memory_space<hbm>> -> memref<40x128xf32, #tpu.memory_space<hbm>>
      tpu.wait_dma2 semaphore(%arg26 : memref<!tpu.dma_semaphore, #tpu.memory_space<semaphore_mem>>) src(%dma_wait3A_94 : memref<40x128xf32, #tpu.memory_space<hbm>>) dst(%dma_wait3A_91 : memref<40x128xf32, #tpu.memory_space<vmem_shared>>)
      %dma_wait3A_95 = arith.constant 0 : i32
      %dma_wait3A_96 = arith.constant 0 : i32
      %dma_wait3A_97 = tpu.memref_slice %arg10[%dma_wait3A_95, %dma_wait3A_96] : memref<4000x128xf32, #tpu.memory_space<vmem_shared>> -> memref<40x128xf32, #tpu.memory_space<vmem_shared>>
      %dma_wait3A_98 = arith.constant 0 : i32
      %dma_wait3A_99 = arith.constant 0 : i32
      %dma_wait3A_100 = tpu.memref_slice %arg4[%dma_wait3A_98, %dma_wait3A_99] : memref<1000x128xf32, #tpu.memory_space<hbm>> -> memref<40x128xf32, #tpu.memory_space<hbm>>
      tpu.wait_dma2 semaphore(%arg26 : memref<!tpu.dma_semaphore, #tpu.memory_space<semaphore_mem>>) src(%dma_wait3A_100 : memref<40x128xf32, #tpu.memory_space<hbm>>) dst(%dma_wait3A_97 : memref<40x128xf32, #tpu.memory_space<vmem_shared>>)
      %dma_wait3A_101 = arith.constant 0 : i32
      %dma_wait3A_102 = arith.constant 0 : i32
      %dma_wait3A_103 = tpu.memref_slice %arg10[%dma_wait3A_101, %dma_wait3A_102] : memref<4000x128xf32, #tpu.memory_space<vmem_shared>> -> memref<40x128xf32, #tpu.memory_space<vmem_shared>>
      %dma_wait3A_104 = arith.constant 0 : i32
      %dma_wait3A_105 = arith.constant 0 : i32
      %dma_wait3A_106 = tpu.memref_slice %arg5[%dma_wait3A_104, %dma_wait3A_105] : memref<1000x128xf32, #tpu.memory_space<hbm>> -> memref<40x128xf32, #tpu.memory_space<hbm>>
      tpu.wait_dma2 semaphore(%arg26 : memref<!tpu.dma_semaphore, #tpu.memory_space<semaphore_mem>>) src(%dma_wait3A_106 : memref<40x128xf32, #tpu.memory_space<hbm>>) dst(%dma_wait3A_103 : memref<40x128xf32, #tpu.memory_space<vmem_shared>>)
      %dma_wait3A_107 = arith.constant 0 : i32
      %dma_wait3A_108 = arith.constant 0 : i32
      %dma_wait3A_109 = tpu.memref_slice %arg10[%dma_wait3A_107, %dma_wait3A_108] : memref<4000x128xf32, #tpu.memory_space<vmem_shared>> -> memref<40x128xf32, #tpu.memory_space<vmem_shared>>
      %dma_wait3A_110 = arith.constant 0 : i32
      %dma_wait3A_111 = arith.constant 0 : i32
      %dma_wait3A_112 = tpu.memref_slice %arg6[%dma_wait3A_110, %dma_wait3A_111] : memref<1000x128xf32, #tpu.memory_space<hbm>> -> memref<40x128xf32, #tpu.memory_space<hbm>>
      tpu.wait_dma2 semaphore(%arg26 : memref<!tpu.dma_semaphore, #tpu.memory_space<semaphore_mem>>) src(%dma_wait3A_112 : memref<40x128xf32, #tpu.memory_space<hbm>>) dst(%dma_wait3A_109 : memref<40x128xf32, #tpu.memory_space<vmem_shared>>)
    } else {
    }
    %barrier3A = arith.constant 0 : index
    tpu.barrier barrier_id(%barrier3A)
    %dma_start3A = arith.constant 0 : i32
    %dma_start3A_44 = arith.constant 0 : i32
    %dma_start3A_45 = tpu.memref_slice %arg9[%dma_start3A, %dma_start3A_44] : memref<50x128xi32, #tpu.memory_space<vmem>> -> memref<1x128xi32, #tpu.memory_space<vmem>>
    %dma_start3A_46 = tpu.memref_squeeze %dma_start3A_45 : memref<1x128xi32, #tpu.memory_space<vmem>> -> memref<128xi32, #tpu.memory_space<vmem>>
    %dma_start3A_47 = arith.constant 0 : i32
    %dma_start3A_48 = arith.constant 0 : i32
    %dma_start3A_49 = tpu.memref_slice %arg10[%dma_start3A_47, %dma_start3A_48] : memref<4000x128xf32, #tpu.memory_space<vmem_shared>> -> memref<4000x128xf32, #tpu.memory_space<vmem_shared>>
    tpu.enqueue_indirect_dma source(%dma_start3A_49 : memref<4000x128xf32, #tpu.memory_space<vmem_shared>>) target(%arg11 : memref<128x128xf32, #tpu.memory_space<vmem>>) offsets(%dma_start3A_46 : memref<128xi32, #tpu.memory_space<vmem>>) semaphore(%arg16 : memref<!tpu.dma_semaphore, #tpu.memory_space<semaphore_mem>>)
    %dma_start3A_50 = arith.constant 1 : i32
    %dma_start3A_51 = arith.constant 0 : i32
    %dma_start3A_52 = tpu.memref_slice %arg9[%dma_start3A_50, %dma_start3A_51] : memref<50x128xi32, #tpu.memory_space<vmem>> -> memref<1x128xi32, #tpu.memory_space<vmem>>
    %dma_start3A_53 = tpu.memref_squeeze %dma_start3A_52 : memref<1x128xi32, #tpu.memory_space<vmem>> -> memref<128xi32, #tpu.memory_space<vmem>>
    %dma_start3A_54 = arith.constant 0 : i32
    %dma_start3A_55 = arith.constant 0 : i32
    %dma_start3A_56 = tpu.memref_slice %arg10[%dma_start3A_54, %dma_start3A_55] : memref<4000x128xf32, #tpu.memory_space<vmem_shared>> -> memref<4000x128xf32, #tpu.memory_space<vmem_shared>>
    tpu.enqueue_indirect_dma source(%dma_start3A_56 : memref<4000x128xf32, #tpu.memory_space<vmem_shared>>) target(%arg12 : memref<128x128xf32, #tpu.memory_space<vmem>>) offsets(%dma_start3A_53 : memref<128xi32, #tpu.memory_space<vmem>>) semaphore(%arg17 : memref<!tpu.dma_semaphore, #tpu.memory_space<semaphore_mem>>)
    %dma_start3A_57 = arith.constant 2 : i32
    %dma_start3A_58 = arith.constant 0 : i32
    %dma_start3A_59 = tpu.memref_slice %arg9[%dma_start3A_57, %dma_start3A_58] : memref<50x128xi32, #tpu.memory_space<vmem>> -> memref<1x128xi32, #tpu.memory_space<vmem>>
    %dma_start3A_60 = tpu.memref_squeeze %dma_start3A_59 : memref<1x128xi32, #tpu.memory_space<vmem>> -> memref<128xi32, #tpu.memory_space<vmem>>
    %dma_start3A_61 = arith.constant 0 : i32
    %dma_start3A_62 = arith.constant 0 : i32
    %dma_start3A_63 = tpu.memref_slice %arg10[%dma_start3A_61, %dma_start3A_62] : memref<4000x128xf32, #tpu.memory_space<vmem_shared>> -> memref<4000x128xf32, #tpu.memory_space<vmem_shared>>
    tpu.enqueue_indirect_dma source(%dma_start3A_63 : memref<4000x128xf32, #tpu.memory_space<vmem_shared>>) target(%arg13 : memref<128x128xf32, #tpu.memory_space<vmem>>) offsets(%dma_start3A_60 : memref<128xi32, #tpu.memory_space<vmem>>) semaphore(%arg18 : memref<!tpu.dma_semaphore, #tpu.memory_space<semaphore_mem>>)
    %scan3A_64 = arith.constant 0 : i32
    %scan3A_65 = arith.constant 0 : i32
    %scan3A_66 = arith.constant 10 : i32
    %scan3A_67 = arith.addi %scan3A_65, %scan3A_66 : i32
    %scan3A_68 = arith.constant 1 : i32
    scf.for %scan3A_89 = %scan3A_65 to %scan3A_67 step %scan3A_68  : i32 {
      %mul3A_90 = arith.constant 5 : i32
      %mul3A_91 = arith.muli %scan3A_89, %mul3A_90 : i32
      %add3A_92 = arith.constant 0 : i32
      %add3A_93 = arith.addi %mul3A_91, %add3A_92 : i32
      %jit3A_94 = arith.constant 50 : i32
      %eq3A_95 = arith.constant 0 : i32
      %eq3A_96 = arith.cmpi eq, %jit3A_94, %eq3A_95 : i32
      %jit3A_97 = arith.constant 1 : i32
      %select_n3A_98 = arith.select %eq3A_96, %jit3A_97, %jit3A_94 : i32
      %rem3A_99 = arith.remsi %add3A_93, %select_n3A_98 : i32
      %ne3A_100 = arith.constant 0 : i32
      %ne3A_101 = arith.cmpi ne, %rem3A_99, %ne3A_100 : i32
      %lt3A_102 = arith.constant 0 : i32
      %lt3A_103 = arith.cmpi slt, %rem3A_99, %lt3A_102 : i32
      %lt3A_104 = arith.constant 0 : i32
      %lt3A_105 = arith.cmpi slt, %select_n3A_98, %lt3A_104 : i32
      %ne3A_106 = arith.xori %lt3A_103, %lt3A_105 : i1
      %and3A_107 = arith.andi %ne3A_106, %ne3A_101 : i1
      %add3A_108 = arith.addi %rem3A_99, %select_n3A_98 : i32
      %select_n3A_109 = arith.select %and3A_107, %add3A_108, %rem3A_99 : i32
      %dma_wait3A_110 = arith.constant 0 : i32
      %dma_wait3A_111 = tpu.memref_slice %arg9[%select_n3A_109, %dma_wait3A_110] : memref<50x128xi32, #tpu.memory_space<vmem>> -> memref<1x128xi32, #tpu.memory_space<vmem>>
      %dma_wait3A_112 = tpu.memref_squeeze %dma_wait3A_111 : memref<1x128xi32, #tpu.memory_space<vmem>> -> memref<128xi32, #tpu.memory_space<vmem>>
      %dma_wait3A_113 = arith.constant 0 : i32
      %dma_wait3A_114 = arith.constant 0 : i32
      %dma_wait3A_115 = tpu.memref_slice %arg10[%dma_wait3A_113, %dma_wait3A_114] : memref<4000x128xf32, #tpu.memory_space<vmem_shared>> -> memref<4000x128xf32, #tpu.memory_space<vmem_shared>>
      tpu.wait_indirect_dma semaphore(%arg16 : memref<!tpu.dma_semaphore, #tpu.memory_space<semaphore_mem>>) src(%dma_wait3A_115 : memref<4000x128xf32, #tpu.memory_space<vmem_shared>>) dst(%arg11 : memref<128x128xf32, #tpu.memory_space<vmem>>)
      %jit3A_116 = arith.constant 50 : i32
      %eq3A_117 = arith.constant 0 : i32
      %eq3A_118 = arith.cmpi eq, %jit3A_116, %eq3A_117 : i32
      %jit3A_119 = arith.constant 1 : i32
      %select_n3A_120 = arith.select %eq3A_118, %jit3A_119, %jit3A_116 : i32
      %rem3A_121 = arith.remsi %add3A_93, %select_n3A_120 : i32
      %ne3A_122 = arith.constant 0 : i32
      %ne3A_123 = arith.cmpi ne, %rem3A_121, %ne3A_122 : i32
      %lt3A_124 = arith.constant 0 : i32
      %lt3A_125 = arith.cmpi slt, %rem3A_121, %lt3A_124 : i32
      %lt3A_126 = arith.constant 0 : i32
      %lt3A_127 = arith.cmpi slt, %select_n3A_120, %lt3A_126 : i32
      %ne3A_128 = arith.xori %lt3A_125, %lt3A_127 : i1
      %and3A_129 = arith.andi %ne3A_128, %ne3A_123 : i1
      %add3A_130 = arith.addi %rem3A_121, %select_n3A_120 : i32
      %select_n3A_131 = arith.select %and3A_129, %add3A_130, %rem3A_121 : i32
      %mul3A_132 = arith.constant 128 : i32
      %mul3A_133 = arith.muli %select_n3A_131, %mul3A_132 : i32
      %add3A_134 = arith.addi %mul3A_2, %mul3A_133 : i32
      %dma_start3A_135 = arith.constant 0 : i32
      %dma_start3A_136 = tpu.memref_slice %arg7[%add3A_134, %dma_start3A_135] : memref<204800x128xf32, #tpu.memory_space<hbm>> -> memref<128x128xf32, #tpu.memory_space<hbm>>
      %dma_start3A_137 = arith.constant 0 : i32
      %dma_start3A_138 = tpu.memref_slice %arg7[%add3A_134, %dma_start3A_137] : memref<204800x128xf32, #tpu.memory_space<hbm>> -> memref<128x128xf32, #tpu.memory_space<hbm>>
      tpu.enqueue_dma source(%arg11 : memref<128x128xf32, #tpu.memory_space<vmem>>) target(%dma_start3A_138 : memref<128x128xf32, #tpu.memory_space<hbm>>) target_semaphore(%arg21 : memref<!tpu.dma_semaphore, #tpu.memory_space<semaphore_mem>>)
      %add3A_139 = arith.constant 3 : i32
      %add3A_140 = arith.addi %add3A_93, %add3A_139 : i32
      %ge3A = arith.constant 5 : i32
      %ge3A_141 = arith.cmpi sge, %add3A_140, %ge3A : i32
      %add3A_142 = arith.constant 3 : i32
      %add3A_143 = arith.addi %add3A_93, %add3A_142 : i32
      %lt3A_144 = arith.constant 50 : i32
      %lt3A_145 = arith.cmpi slt, %add3A_143, %lt3A_144 : i32
      %and3A_146 = arith.andi %ge3A_141, %lt3A_145 : i1
      %convert_element_type3A_147 = arith.extui %and3A_146 : i1 to i32
      %cond3A_148 = arith.constant 0 : i32
      %cond3A_149 = arith.cmpi ne, %convert_element_type3A_147, %cond3A_148 : i32
      scf.if %cond3A_149 {
        %dma_wait3A_429 = arith.constant 0 : i32
        %dma_wait3A_430 = tpu.memref_slice %arg7[%mul3A_2, %dma_wait3A_429] : memref<204800x128xf32, #tpu.memory_space<hbm>> -> memref<128x128xf32, #tpu.memory_space<hbm>>
        %dma_wait3A_431 = arith.constant 0 : i32
        %dma_wait3A_432 = tpu.memref_slice %arg7[%mul3A_2, %dma_wait3A_431] : memref<204800x128xf32, #tpu.memory_space<hbm>> -> memref<128x128xf32, #tpu.memory_space<hbm>>
        tpu.wait_dma2 semaphore(%arg24 : memref<!tpu.dma_semaphore, #tpu.memory_space<semaphore_mem>>) src(%arg14 : memref<128x128xf32, #tpu.memory_space<vmem>>) dst(%dma_wait3A_432 : memref<128x128xf32, #tpu.memory_space<hbm>>)
      } else {
      }
      %add3A_150 = arith.constant 3 : i32
      %add3A_151 = arith.addi %add3A_93, %add3A_150 : i32
      %lt3A_152 = arith.constant 50 : i32
      %lt3A_153 = arith.cmpi slt, %add3A_151, %lt3A_152 : i32
      %convert_element_type3A_154 = arith.extui %lt3A_153 : i1 to i32
      %cond3A_155 = arith.constant 0 : i32
      %cond3A_156 = arith.cmpi ne, %convert_element_type3A_154, %cond3A_155 : i32
      scf.if %cond3A_156 {
        %add3A_429 = arith.constant 3 : i32
        %add3A_430 = arith.addi %add3A_93, %add3A_429 : i32
        %jit3A_431 = arith.constant 50 : i32
        %eq3A_432 = arith.constant 0 : i32
        %eq3A_433 = arith.cmpi eq, %jit3A_431, %eq3A_432 : i32
        %jit3A_434 = arith.constant 1 : i32
        %select_n3A_435 = arith.select %eq3A_433, %jit3A_434, %jit3A_431 : i32
        %rem3A_436 = arith.remsi %add3A_430, %select_n3A_435 : i32
        %ne3A_437 = arith.constant 0 : i32
        %ne3A_438 = arith.cmpi ne, %rem3A_436, %ne3A_437 : i32
        %lt3A_439 = arith.constant 0 : i32
        %lt3A_440 = arith.cmpi slt, %rem3A_436, %lt3A_439 : i32
        %lt3A_441 = arith.constant 0 : i32
        %lt3A_442 = arith.cmpi slt, %select_n3A_435, %lt3A_441 : i32
        %ne3A_443 = arith.xori %lt3A_440, %lt3A_442 : i1
        %and3A_444 = arith.andi %ne3A_443, %ne3A_438 : i1
        %add3A_445 = arith.addi %rem3A_436, %select_n3A_435 : i32
        %select_n3A_446 = arith.select %and3A_444, %add3A_445, %rem3A_436 : i32
        %dma_start3A_447 = arith.constant 0 : i32
        %dma_start3A_448 = tpu.memref_slice %arg9[%select_n3A_446, %dma_start3A_447] : memref<50x128xi32, #tpu.memory_space<vmem>> -> memref<1x128xi32, #tpu.memory_space<vmem>>
        %dma_start3A_449 = tpu.memref_squeeze %dma_start3A_448 : memref<1x128xi32, #tpu.memory_space<vmem>> -> memref<128xi32, #tpu.memory_space<vmem>>
        %dma_start3A_450 = arith.constant 0 : i32
        %dma_start3A_451 = arith.constant 0 : i32
        %dma_start3A_452 = tpu.memref_slice %arg10[%dma_start3A_450, %dma_start3A_451] : memref<4000x128xf32, #tpu.memory_space<vmem_shared>> -> memref<4000x128xf32, #tpu.memory_space<vmem_shared>>
        tpu.enqueue_indirect_dma source(%dma_start3A_452 : memref<4000x128xf32, #tpu.memory_space<vmem_shared>>) target(%arg14 : memref<128x128xf32, #tpu.memory_space<vmem>>) offsets(%dma_start3A_449 : memref<128xi32, #tpu.memory_space<vmem>>) semaphore(%arg19 : memref<!tpu.dma_semaphore, #tpu.memory_space<semaphore_mem>>)
      } else {
      }
      %mul3A_157 = arith.constant 5 : i32
      %mul3A_158 = arith.muli %scan3A_89, %mul3A_157 : i32
      %add3A_159 = arith.constant 1 : i32
      %add3A_160 = arith.addi %mul3A_158, %add3A_159 : i32
      %jit3A_161 = arith.constant 50 : i32
      %eq3A_162 = arith.constant 0 : i32
      %eq3A_163 = arith.cmpi eq, %jit3A_161, %eq3A_162 : i32
      %jit3A_164 = arith.constant 1 : i32
      %select_n3A_165 = arith.select %eq3A_163, %jit3A_164, %jit3A_161 : i32
      %rem3A_166 = arith.remsi %add3A_160, %select_n3A_165 : i32
      %ne3A_167 = arith.constant 0 : i32
      %ne3A_168 = arith.cmpi ne, %rem3A_166, %ne3A_167 : i32
      %lt3A_169 = arith.constant 0 : i32
      %lt3A_170 = arith.cmpi slt, %rem3A_166, %lt3A_169 : i32
      %lt3A_171 = arith.constant 0 : i32
      %lt3A_172 = arith.cmpi slt, %select_n3A_165, %lt3A_171 : i32
      %ne3A_173 = arith.xori %lt3A_170, %lt3A_172 : i1
      %and3A_174 = arith.andi %ne3A_173, %ne3A_168 : i1
      %add3A_175 = arith.addi %rem3A_166, %select_n3A_165 : i32
      %select_n3A_176 = arith.select %and3A_174, %add3A_175, %rem3A_166 : i32
      %dma_wait3A_177 = arith.constant 0 : i32
      %dma_wait3A_178 = tpu.memref_slice %arg9[%select_n3A_176, %dma_wait3A_177] : memref<50x128xi32, #tpu.memory_space<vmem>> -> memref<1x128xi32, #tpu.memory_space<vmem>>
      %dma_wait3A_179 = tpu.memref_squeeze %dma_wait3A_178 : memref<1x128xi32, #tpu.memory_space<vmem>> -> memref<128xi32, #tpu.memory_space<vmem>>
      %dma_wait3A_180 = arith.constant 0 : i32
      %dma_wait3A_181 = arith.constant 0 : i32
      %dma_wait3A_182 = tpu.memref_slice %arg10[%dma_wait3A_180, %dma_wait3A_181] : memref<4000x128xf32, #tpu.memory_space<vmem_shared>> -> memref<4000x128xf32, #tpu.memory_space<vmem_shared>>
      tpu.wait_indirect_dma semaphore(%arg17 : memref<!tpu.dma_semaphore, #tpu.memory_space<semaphore_mem>>) src(%dma_wait3A_182 : memref<4000x128xf32, #tpu.memory_space<vmem_shared>>) dst(%arg12 : memref<128x128xf32, #tpu.memory_space<vmem>>)
      %jit3A_183 = arith.constant 50 : i32
      %eq3A_184 = arith.constant 0 : i32
      %eq3A_185 = arith.cmpi eq, %jit3A_183, %eq3A_184 : i32
      %jit3A_186 = arith.constant 1 : i32
      %select_n3A_187 = arith.select %eq3A_185, %jit3A_186, %jit3A_183 : i32
      %rem3A_188 = arith.remsi %add3A_160, %select_n3A_187 : i32
      %ne3A_189 = arith.constant 0 : i32
      %ne3A_190 = arith.cmpi ne, %rem3A_188, %ne3A_189 : i32
      %lt3A_191 = arith.constant 0 : i32
      %lt3A_192 = arith.cmpi slt, %rem3A_188, %lt3A_191 : i32
      %lt3A_193 = arith.constant 0 : i32
      %lt3A_194 = arith.cmpi slt, %select_n3A_187, %lt3A_193 : i32
      %ne3A_195 = arith.xori %lt3A_192, %lt3A_194 : i1
      %and3A_196 = arith.andi %ne3A_195, %ne3A_190 : i1
      %add3A_197 = arith.addi %rem3A_188, %select_n3A_187 : i32
      %select_n3A_198 = arith.select %and3A_196, %add3A_197, %rem3A_188 : i32
      %mul3A_199 = arith.constant 128 : i32
      %mul3A_200 = arith.muli %select_n3A_198, %mul3A_199 : i32
      %add3A_201 = arith.addi %mul3A_2, %mul3A_200 : i32
      %dma_start3A_202 = arith.constant 0 : i32
      %dma_start3A_203 = tpu.memref_slice %arg7[%add3A_201, %dma_start3A_202] : memref<204800x128xf32, #tpu.memory_space<hbm>> -> memref<128x128xf32, #tpu.memory_space<hbm>>
      %dma_start3A_204 = arith.constant 0 : i32
      %dma_start3A_205 = tpu.memref_slice %arg7[%add3A_201, %dma_start3A_204] : memref<204800x128xf32, #tpu.memory_space<hbm>> -> memref<128x128xf32, #tpu.memory_space<hbm>>
      tpu.enqueue_dma source(%arg12 : memref<128x128xf32, #tpu.memory_space<vmem>>) target(%dma_start3A_205 : memref<128x128xf32, #tpu.memory_space<hbm>>) target_semaphore(%arg22 : memref<!tpu.dma_semaphore, #tpu.memory_space<semaphore_mem>>)
      %add3A_206 = arith.constant 3 : i32
      %add3A_207 = arith.addi %add3A_160, %add3A_206 : i32
      %ge3A_208 = arith.constant 5 : i32
      %ge3A_209 = arith.cmpi sge, %add3A_207, %ge3A_208 : i32
      %add3A_210 = arith.constant 3 : i32
      %add3A_211 = arith.addi %add3A_160, %add3A_210 : i32
      %lt3A_212 = arith.constant 50 : i32
      %lt3A_213 = arith.cmpi slt, %add3A_211, %lt3A_212 : i32
      %and3A_214 = arith.andi %ge3A_209, %lt3A_213 : i1
      %convert_element_type3A_215 = arith.extui %and3A_214 : i1 to i32
      %cond3A_216 = arith.constant 0 : i32
      %cond3A_217 = arith.cmpi ne, %convert_element_type3A_215, %cond3A_216 : i32
      scf.if %cond3A_217 {
        %dma_wait3A_429 = arith.constant 0 : i32
        %dma_wait3A_430 = tpu.memref_slice %arg7[%mul3A_2, %dma_wait3A_429] : memref<204800x128xf32, #tpu.memory_space<hbm>> -> memref<128x128xf32, #tpu.memory_space<hbm>>
        %dma_wait3A_431 = arith.constant 0 : i32
        %dma_wait3A_432 = tpu.memref_slice %arg7[%mul3A_2, %dma_wait3A_431] : memref<204800x128xf32, #tpu.memory_space<hbm>> -> memref<128x128xf32, #tpu.memory_space<hbm>>
        tpu.wait_dma2 semaphore(%arg25 : memref<!tpu.dma_semaphore, #tpu.memory_space<semaphore_mem>>) src(%arg15 : memref<128x128xf32, #tpu.memory_space<vmem>>) dst(%dma_wait3A_432 : memref<128x128xf32, #tpu.memory_space<hbm>>)
      } else {
      }
      %add3A_218 = arith.constant 3 : i32
      %add3A_219 = arith.addi %add3A_160, %add3A_218 : i32
      %lt3A_220 = arith.constant 50 : i32
      %lt3A_221 = arith.cmpi slt, %add3A_219, %lt3A_220 : i32
      %convert_element_type3A_222 = arith.extui %lt3A_221 : i1 to i32
      %cond3A_223 = arith.constant 0 : i32
      %cond3A_224 = arith.cmpi ne, %convert_element_type3A_222, %cond3A_223 : i32
      scf.if %cond3A_224 {
        %add3A_429 = arith.constant 3 : i32
        %add3A_430 = arith.addi %add3A_160, %add3A_429 : i32
        %jit3A_431 = arith.constant 50 : i32
        %eq3A_432 = arith.constant 0 : i32
        %eq3A_433 = arith.cmpi eq, %jit3A_431, %eq3A_432 : i32
        %jit3A_434 = arith.constant 1 : i32
        %select_n3A_435 = arith.select %eq3A_433, %jit3A_434, %jit3A_431 : i32
        %rem3A_436 = arith.remsi %add3A_430, %select_n3A_435 : i32
        %ne3A_437 = arith.constant 0 : i32
        %ne3A_438 = arith.cmpi ne, %rem3A_436, %ne3A_437 : i32
        %lt3A_439 = arith.constant 0 : i32
        %lt3A_440 = arith.cmpi slt, %rem3A_436, %lt3A_439 : i32
        %lt3A_441 = arith.constant 0 : i32
        %lt3A_442 = arith.cmpi slt, %select_n3A_435, %lt3A_441 : i32
        %ne3A_443 = arith.xori %lt3A_440, %lt3A_442 : i1
        %and3A_444 = arith.andi %ne3A_443, %ne3A_438 : i1
        %add3A_445 = arith.addi %rem3A_436, %select_n3A_435 : i32
        %select_n3A_446 = arith.select %and3A_444, %add3A_445, %rem3A_436 : i32
        %dma_start3A_447 = arith.constant 0 : i32
        %dma_start3A_448 = tpu.memref_slice %arg9[%select_n3A_446, %dma_start3A_447] : memref<50x128xi32, #tpu.memory_space<vmem>> -> memref<1x128xi32, #tpu.memory_space<vmem>>
        %dma_start3A_449 = tpu.memref_squeeze %dma_start3A_448 : memref<1x128xi32, #tpu.memory_space<vmem>> -> memref<128xi32, #tpu.memory_space<vmem>>
        %dma_start3A_450 = arith.constant 0 : i32
        %dma_start3A_451 = arith.constant 0 : i32
        %dma_start3A_452 = tpu.memref_slice %arg10[%dma_start3A_450, %dma_start3A_451] : memref<4000x128xf32, #tpu.memory_space<vmem_shared>> -> memref<4000x128xf32, #tpu.memory_space<vmem_shared>>
        tpu.enqueue_indirect_dma source(%dma_start3A_452 : memref<4000x128xf32, #tpu.memory_space<vmem_shared>>) target(%arg15 : memref<128x128xf32, #tpu.memory_space<vmem>>) offsets(%dma_start3A_449 : memref<128xi32, #tpu.memory_space<vmem>>) semaphore(%arg20 : memref<!tpu.dma_semaphore, #tpu.memory_space<semaphore_mem>>)
      } else {
      }
      %mul3A_225 = arith.constant 5 : i32
      %mul3A_226 = arith.muli %scan3A_89, %mul3A_225 : i32
      %add3A_227 = arith.constant 2 : i32
      %add3A_228 = arith.addi %mul3A_226, %add3A_227 : i32
      %jit3A_229 = arith.constant 50 : i32
      %eq3A_230 = arith.constant 0 : i32
      %eq3A_231 = arith.cmpi eq, %jit3A_229, %eq3A_230 : i32
      %jit3A_232 = arith.constant 1 : i32
      %select_n3A_233 = arith.select %eq3A_231, %jit3A_232, %jit3A_229 : i32
      %rem3A_234 = arith.remsi %add3A_228, %select_n3A_233 : i32
      %ne3A_235 = arith.constant 0 : i32
      %ne3A_236 = arith.cmpi ne, %rem3A_234, %ne3A_235 : i32
      %lt3A_237 = arith.constant 0 : i32
      %lt3A_238 = arith.cmpi slt, %rem3A_234, %lt3A_237 : i32
      %lt3A_239 = arith.constant 0 : i32
      %lt3A_240 = arith.cmpi slt, %select_n3A_233, %lt3A_239 : i32
      %ne3A_241 = arith.xori %lt3A_238, %lt3A_240 : i1
      %and3A_242 = arith.andi %ne3A_241, %ne3A_236 : i1
      %add3A_243 = arith.addi %rem3A_234, %select_n3A_233 : i32
      %select_n3A_244 = arith.select %and3A_242, %add3A_243, %rem3A_234 : i32
      %dma_wait3A_245 = arith.constant 0 : i32
      %dma_wait3A_246 = tpu.memref_slice %arg9[%select_n3A_244, %dma_wait3A_245] : memref<50x128xi32, #tpu.memory_space<vmem>> -> memref<1x128xi32, #tpu.memory_space<vmem>>
      %dma_wait3A_247 = tpu.memref_squeeze %dma_wait3A_246 : memref<1x128xi32, #tpu.memory_space<vmem>> -> memref<128xi32, #tpu.memory_space<vmem>>
      %dma_wait3A_248 = arith.constant 0 : i32
      %dma_wait3A_249 = arith.constant 0 : i32
      %dma_wait3A_250 = tpu.memref_slice %arg10[%dma_wait3A_248, %dma_wait3A_249] : memref<4000x128xf32, #tpu.memory_space<vmem_shared>> -> memref<4000x128xf32, #tpu.memory_space<vmem_shared>>
      tpu.wait_indirect_dma semaphore(%arg18 : memref<!tpu.dma_semaphore, #tpu.memory_space<semaphore_mem>>) src(%dma_wait3A_250 : memref<4000x128xf32, #tpu.memory_space<vmem_shared>>) dst(%arg13 : memref<128x128xf32, #tpu.memory_space<vmem>>)
      %jit3A_251 = arith.constant 50 : i32
      %eq3A_252 = arith.constant 0 : i32
      %eq3A_253 = arith.cmpi eq, %jit3A_251, %eq3A_252 : i32
      %jit3A_254 = arith.constant 1 : i32
      %select_n3A_255 = arith.select %eq3A_253, %jit3A_254, %jit3A_251 : i32
      %rem3A_256 = arith.remsi %add3A_228, %select_n3A_255 : i32
      %ne3A_257 = arith.constant 0 : i32
      %ne3A_258 = arith.cmpi ne, %rem3A_256, %ne3A_257 : i32
      %lt3A_259 = arith.constant 0 : i32
      %lt3A_260 = arith.cmpi slt, %rem3A_256, %lt3A_259 : i32
      %lt3A_261 = arith.constant 0 : i32
      %lt3A_262 = arith.cmpi slt, %select_n3A_255, %lt3A_261 : i32
      %ne3A_263 = arith.xori %lt3A_260, %lt3A_262 : i1
      %and3A_264 = arith.andi %ne3A_263, %ne3A_258 : i1
      %add3A_265 = arith.addi %rem3A_256, %select_n3A_255 : i32
      %select_n3A_266 = arith.select %and3A_264, %add3A_265, %rem3A_256 : i32
      %mul3A_267 = arith.constant 128 : i32
      %mul3A_268 = arith.muli %select_n3A_266, %mul3A_267 : i32
      %add3A_269 = arith.addi %mul3A_2, %mul3A_268 : i32
      %dma_start3A_270 = arith.constant 0 : i32
      %dma_start3A_271 = tpu.memref_slice %arg7[%add3A_269, %dma_start3A_270] : memref<204800x128xf32, #tpu.memory_space<hbm>> -> memref<128x128xf32, #tpu.memory_space<hbm>>
      %dma_start3A_272 = arith.constant 0 : i32
      %dma_start3A_273 = tpu.memref_slice %arg7[%add3A_269, %dma_start3A_272] : memref<204800x128xf32, #tpu.memory_space<hbm>> -> memref<128x128xf32, #tpu.memory_space<hbm>>
      tpu.enqueue_dma source(%arg13 : memref<128x128xf32, #tpu.memory_space<vmem>>) target(%dma_start3A_273 : memref<128x128xf32, #tpu.memory_space<hbm>>) target_semaphore(%arg23 : memref<!tpu.dma_semaphore, #tpu.memory_space<semaphore_mem>>)
      %add3A_274 = arith.constant 3 : i32
      %add3A_275 = arith.addi %add3A_228, %add3A_274 : i32
      %ge3A_276 = arith.constant 5 : i32
      %ge3A_277 = arith.cmpi sge, %add3A_275, %ge3A_276 : i32
      %add3A_278 = arith.constant 3 : i32
      %add3A_279 = arith.addi %add3A_228, %add3A_278 : i32
      %lt3A_280 = arith.constant 50 : i32
      %lt3A_281 = arith.cmpi slt, %add3A_279, %lt3A_280 : i32
      %and3A_282 = arith.andi %ge3A_277, %lt3A_281 : i1
      %convert_element_type3A_283 = arith.extui %and3A_282 : i1 to i32
      %cond3A_284 = arith.constant 0 : i32
      %cond3A_285 = arith.cmpi ne, %convert_element_type3A_283, %cond3A_284 : i32
      scf.if %cond3A_285 {
        %dma_wait3A_429 = arith.constant 0 : i32
        %dma_wait3A_430 = tpu.memref_slice %arg7[%mul3A_2, %dma_wait3A_429] : memref<204800x128xf32, #tpu.memory_space<hbm>> -> memref<128x128xf32, #tpu.memory_space<hbm>>
        %dma_wait3A_431 = arith.constant 0 : i32
        %dma_wait3A_432 = tpu.memref_slice %arg7[%mul3A_2, %dma_wait3A_431] : memref<204800x128xf32, #tpu.memory_space<hbm>> -> memref<128x128xf32, #tpu.memory_space<hbm>>
        tpu.wait_dma2 semaphore(%arg21 : memref<!tpu.dma_semaphore, #tpu.memory_space<semaphore_mem>>) src(%arg11 : memref<128x128xf32, #tpu.memory_space<vmem>>) dst(%dma_wait3A_432 : memref<128x128xf32, #tpu.memory_space<hbm>>)
      } else {
      }
      %add3A_286 = arith.constant 3 : i32
      %add3A_287 = arith.addi %add3A_228, %add3A_286 : i32
      %lt3A_288 = arith.constant 50 : i32
      %lt3A_289 = arith.cmpi slt, %add3A_287, %lt3A_288 : i32
      %convert_element_type3A_290 = arith.extui %lt3A_289 : i1 to i32
      %cond3A_291 = arith.constant 0 : i32
      %cond3A_292 = arith.cmpi ne, %convert_element_type3A_290, %cond3A_291 : i32
      scf.if %cond3A_292 {
        %add3A_429 = arith.constant 3 : i32
        %add3A_430 = arith.addi %add3A_228, %add3A_429 : i32
        %jit3A_431 = arith.constant 50 : i32
        %eq3A_432 = arith.constant 0 : i32
        %eq3A_433 = arith.cmpi eq, %jit3A_431, %eq3A_432 : i32
        %jit3A_434 = arith.constant 1 : i32
        %select_n3A_435 = arith.select %eq3A_433, %jit3A_434, %jit3A_431 : i32
        %rem3A_436 = arith.remsi %add3A_430, %select_n3A_435 : i32
        %ne3A_437 = arith.constant 0 : i32
        %ne3A_438 = arith.cmpi ne, %rem3A_436, %ne3A_437 : i32
        %lt3A_439 = arith.constant 0 : i32
        %lt3A_440 = arith.cmpi slt, %rem3A_436, %lt3A_439 : i32
        %lt3A_441 = arith.constant 0 : i32
        %lt3A_442 = arith.cmpi slt, %select_n3A_435, %lt3A_441 : i32
        %ne3A_443 = arith.xori %lt3A_440, %lt3A_442 : i1
        %and3A_444 = arith.andi %ne3A_443, %ne3A_438 : i1
        %add3A_445 = arith.addi %rem3A_436, %select_n3A_435 : i32
        %select_n3A_446 = arith.select %and3A_444, %add3A_445, %rem3A_436 : i32
        %dma_start3A_447 = arith.constant 0 : i32
        %dma_start3A_448 = tpu.memref_slice %arg9[%select_n3A_446, %dma_start3A_447] : memref<50x128xi32, #tpu.memory_space<vmem>> -> memref<1x128xi32, #tpu.memory_space<vmem>>
        %dma_start3A_449 = tpu.memref_squeeze %dma_start3A_448 : memref<1x128xi32, #tpu.memory_space<vmem>> -> memref<128xi32, #tpu.memory_space<vmem>>
        %dma_start3A_450 = arith.constant 0 : i32
        %dma_start3A_451 = arith.constant 0 : i32
        %dma_start3A_452 = tpu.memref_slice %arg10[%dma_start3A_450, %dma_start3A_451] : memref<4000x128xf32, #tpu.memory_space<vmem_shared>> -> memref<4000x128xf32, #tpu.memory_space<vmem_shared>>
        tpu.enqueue_indirect_dma source(%dma_start3A_452 : memref<4000x128xf32, #tpu.memory_space<vmem_shared>>) target(%arg11 : memref<128x128xf32, #tpu.memory_space<vmem>>) offsets(%dma_start3A_449 : memref<128xi32, #tpu.memory_space<vmem>>) semaphore(%arg16 : memref<!tpu.dma_semaphore, #tpu.memory_space<semaphore_mem>>)
      } else {
      }
      %mul3A_293 = arith.constant 5 : i32
      %mul3A_294 = arith.muli %scan3A_89, %mul3A_293 : i32
      %add3A_295 = arith.constant 3 : i32
      %add3A_296 = arith.addi %mul3A_294, %add3A_295 : i32
      %jit3A_297 = arith.constant 50 : i32
      %eq3A_298 = arith.constant 0 : i32
      %eq3A_299 = arith.cmpi eq, %jit3A_297, %eq3A_298 : i32
      %jit3A_300 = arith.constant 1 : i32
      %select_n3A_301 = arith.select %eq3A_299, %jit3A_300, %jit3A_297 : i32
      %rem3A_302 = arith.remsi %add3A_296, %select_n3A_301 : i32
      %ne3A_303 = arith.constant 0 : i32
      %ne3A_304 = arith.cmpi ne, %rem3A_302, %ne3A_303 : i32
      %lt3A_305 = arith.constant 0 : i32
      %lt3A_306 = arith.cmpi slt, %rem3A_302, %lt3A_305 : i32
      %lt3A_307 = arith.constant 0 : i32
      %lt3A_308 = arith.cmpi slt, %select_n3A_301, %lt3A_307 : i32
      %ne3A_309 = arith.xori %lt3A_306, %lt3A_308 : i1
      %and3A_310 = arith.andi %ne3A_309, %ne3A_304 : i1
      %add3A_311 = arith.addi %rem3A_302, %select_n3A_301 : i32
      %select_n3A_312 = arith.select %and3A_310, %add3A_311, %rem3A_302 : i32
      %dma_wait3A_313 = arith.constant 0 : i32
      %dma_wait3A_314 = tpu.memref_slice %arg9[%select_n3A_312, %dma_wait3A_313] : memref<50x128xi32, #tpu.memory_space<vmem>> -> memref<1x128xi32, #tpu.memory_space<vmem>>
      %dma_wait3A_315 = tpu.memref_squeeze %dma_wait3A_314 : memref<1x128xi32, #tpu.memory_space<vmem>> -> memref<128xi32, #tpu.memory_space<vmem>>
      %dma_wait3A_316 = arith.constant 0 : i32
      %dma_wait3A_317 = arith.constant 0 : i32
      %dma_wait3A_318 = tpu.memref_slice %arg10[%dma_wait3A_316, %dma_wait3A_317] : memref<4000x128xf32, #tpu.memory_space<vmem_shared>> -> memref<4000x128xf32, #tpu.memory_space<vmem_shared>>
      tpu.wait_indirect_dma semaphore(%arg19 : memref<!tpu.dma_semaphore, #tpu.memory_space<semaphore_mem>>) src(%dma_wait3A_318 : memref<4000x128xf32, #tpu.memory_space<vmem_shared>>) dst(%arg14 : memref<128x128xf32, #tpu.memory_space<vmem>>)
      %jit3A_319 = arith.constant 50 : i32
      %eq3A_320 = arith.constant 0 : i32
      %eq3A_321 = arith.cmpi eq, %jit3A_319, %eq3A_320 : i32
      %jit3A_322 = arith.constant 1 : i32
      %select_n3A_323 = arith.select %eq3A_321, %jit3A_322, %jit3A_319 : i32
      %rem3A_324 = arith.remsi %add3A_296, %select_n3A_323 : i32
      %ne3A_325 = arith.constant 0 : i32
      %ne3A_326 = arith.cmpi ne, %rem3A_324, %ne3A_325 : i32
      %lt3A_327 = arith.constant 0 : i32
      %lt3A_328 = arith.cmpi slt, %rem3A_324, %lt3A_327 : i32
      %lt3A_329 = arith.constant 0 : i32
      %lt3A_330 = arith.cmpi slt, %select_n3A_323, %lt3A_329 : i32
      %ne3A_331 = arith.xori %lt3A_328, %lt3A_330 : i1
      %and3A_332 = arith.andi %ne3A_331, %ne3A_326 : i1
      %add3A_333 = arith.addi %rem3A_324, %select_n3A_323 : i32
      %select_n3A_334 = arith.select %and3A_332, %add3A_333, %rem3A_324 : i32
      %mul3A_335 = arith.constant 128 : i32
      %mul3A_336 = arith.muli %select_n3A_334, %mul3A_335 : i32
      %add3A_337 = arith.addi %mul3A_2, %mul3A_336 : i32
      %dma_start3A_338 = arith.constant 0 : i32
      %dma_start3A_339 = tpu.memref_slice %arg7[%add3A_337, %dma_start3A_338] : memref<204800x128xf32, #tpu.memory_space<hbm>> -> memref<128x128xf32, #tpu.memory_space<hbm>>
      %dma_start3A_340 = arith.constant 0 : i32
      %dma_start3A_341 = tpu.memref_slice %arg7[%add3A_337, %dma_start3A_340] : memref<204800x128xf32, #tpu.memory_space<hbm>> -> memref<128x128xf32, #tpu.memory_space<hbm>>
      tpu.enqueue_dma source(%arg14 : memref<128x128xf32, #tpu.memory_space<vmem>>) target(%dma_start3A_341 : memref<128x128xf32, #tpu.memory_space<hbm>>) target_semaphore(%arg24 : memref<!tpu.dma_semaphore, #tpu.memory_space<semaphore_mem>>)
      %add3A_342 = arith.constant 3 : i32
      %add3A_343 = arith.addi %add3A_296, %add3A_342 : i32
      %ge3A_344 = arith.constant 5 : i32
      %ge3A_345 = arith.cmpi sge, %add3A_343, %ge3A_344 : i32
      %add3A_346 = arith.constant 3 : i32
      %add3A_347 = arith.addi %add3A_296, %add3A_346 : i32
      %lt3A_348 = arith.constant 50 : i32
      %lt3A_349 = arith.cmpi slt, %add3A_347, %lt3A_348 : i32
      %and3A_350 = arith.andi %ge3A_345, %lt3A_349 : i1
      %convert_element_type3A_351 = arith.extui %and3A_350 : i1 to i32
      %cond3A_352 = arith.constant 0 : i32
      %cond3A_353 = arith.cmpi ne, %convert_element_type3A_351, %cond3A_352 : i32
      scf.if %cond3A_353 {
        %dma_wait3A_429 = arith.constant 0 : i32
        %dma_wait3A_430 = tpu.memref_slice %arg7[%mul3A_2, %dma_wait3A_429] : memref<204800x128xf32, #tpu.memory_space<hbm>> -> memref<128x128xf32, #tpu.memory_space<hbm>>
        %dma_wait3A_431 = arith.constant 0 : i32
        %dma_wait3A_432 = tpu.memref_slice %arg7[%mul3A_2, %dma_wait3A_431] : memref<204800x128xf32, #tpu.memory_space<hbm>> -> memref<128x128xf32, #tpu.memory_space<hbm>>
        tpu.wait_dma2 semaphore(%arg22 : memref<!tpu.dma_semaphore, #tpu.memory_space<semaphore_mem>>) src(%arg12 : memref<128x128xf32, #tpu.memory_space<vmem>>) dst(%dma_wait3A_432 : memref<128x128xf32, #tpu.memory_space<hbm>>)
      } else {
      }
      %add3A_354 = arith.constant 3 : i32
      %add3A_355 = arith.addi %add3A_296, %add3A_354 : i32
      %lt3A_356 = arith.constant 50 : i32
      %lt3A_357 = arith.cmpi slt, %add3A_355, %lt3A_356 : i32
      %convert_element_type3A_358 = arith.extui %lt3A_357 : i1 to i32
      %cond3A_359 = arith.constant 0 : i32
      %cond3A_360 = arith.cmpi ne, %convert_element_type3A_358, %cond3A_359 : i32
      scf.if %cond3A_360 {
        %add3A_429 = arith.constant 3 : i32
        %add3A_430 = arith.addi %add3A_296, %add3A_429 : i32
        %jit3A_431 = arith.constant 50 : i32
        %eq3A_432 = arith.constant 0 : i32
        %eq3A_433 = arith.cmpi eq, %jit3A_431, %eq3A_432 : i32
        %jit3A_434 = arith.constant 1 : i32
        %select_n3A_435 = arith.select %eq3A_433, %jit3A_434, %jit3A_431 : i32
        %rem3A_436 = arith.remsi %add3A_430, %select_n3A_435 : i32
        %ne3A_437 = arith.constant 0 : i32
        %ne3A_438 = arith.cmpi ne, %rem3A_436, %ne3A_437 : i32
        %lt3A_439 = arith.constant 0 : i32
        %lt3A_440 = arith.cmpi slt, %rem3A_436, %lt3A_439 : i32
        %lt3A_441 = arith.constant 0 : i32
        %lt3A_442 = arith.cmpi slt, %select_n3A_435, %lt3A_441 : i32
        %ne3A_443 = arith.xori %lt3A_440, %lt3A_442 : i1
        %and3A_444 = arith.andi %ne3A_443, %ne3A_438 : i1
        %add3A_445 = arith.addi %rem3A_436, %select_n3A_435 : i32
        %select_n3A_446 = arith.select %and3A_444, %add3A_445, %rem3A_436 : i32
        %dma_start3A_447 = arith.constant 0 : i32
        %dma_start3A_448 = tpu.memref_slice %arg9[%select_n3A_446, %dma_start3A_447] : memref<50x128xi32, #tpu.memory_space<vmem>> -> memref<1x128xi32, #tpu.memory_space<vmem>>
        %dma_start3A_449 = tpu.memref_squeeze %dma_start3A_448 : memref<1x128xi32, #tpu.memory_space<vmem>> -> memref<128xi32, #tpu.memory_space<vmem>>
        %dma_start3A_450 = arith.constant 0 : i32
        %dma_start3A_451 = arith.constant 0 : i32
        %dma_start3A_452 = tpu.memref_slice %arg10[%dma_start3A_450, %dma_start3A_451] : memref<4000x128xf32, #tpu.memory_space<vmem_shared>> -> memref<4000x128xf32, #tpu.memory_space<vmem_shared>>
        tpu.enqueue_indirect_dma source(%dma_start3A_452 : memref<4000x128xf32, #tpu.memory_space<vmem_shared>>) target(%arg12 : memref<128x128xf32, #tpu.memory_space<vmem>>) offsets(%dma_start3A_449 : memref<128xi32, #tpu.memory_space<vmem>>) semaphore(%arg17 : memref<!tpu.dma_semaphore, #tpu.memory_space<semaphore_mem>>)
      } else {
      }
      %mul3A_361 = arith.constant 5 : i32
      %mul3A_362 = arith.muli %scan3A_89, %mul3A_361 : i32
      %add3A_363 = arith.constant 4 : i32
      %add3A_364 = arith.addi %mul3A_362, %add3A_363 : i32
      %jit3A_365 = arith.constant 50 : i32
      %eq3A_366 = arith.constant 0 : i32
      %eq3A_367 = arith.cmpi eq, %jit3A_365, %eq3A_366 : i32
      %jit3A_368 = arith.constant 1 : i32
      %select_n3A_369 = arith.select %eq3A_367, %jit3A_368, %jit3A_365 : i32
      %rem3A_370 = arith.remsi %add3A_364, %select_n3A_369 : i32
      %ne3A_371 = arith.constant 0 : i32
      %ne3A_372 = arith.cmpi ne, %rem3A_370, %ne3A_371 : i32
      %lt3A_373 = arith.constant 0 : i32
      %lt3A_374 = arith.cmpi slt, %rem3A_370, %lt3A_373 : i32
      %lt3A_375 = arith.constant 0 : i32
      %lt3A_376 = arith.cmpi slt, %select_n3A_369, %lt3A_375 : i32
      %ne3A_377 = arith.xori %lt3A_374, %lt3A_376 : i1
      %and3A_378 = arith.andi %ne3A_377, %ne3A_372 : i1
      %add3A_379 = arith.addi %rem3A_370, %select_n3A_369 : i32
      %select_n3A_380 = arith.select %and3A_378, %add3A_379, %rem3A_370 : i32
      %dma_wait3A_381 = arith.constant 0 : i32
      %dma_wait3A_382 = tpu.memref_slice %arg9[%select_n3A_380, %dma_wait3A_381] : memref<50x128xi32, #tpu.memory_space<vmem>> -> memref<1x128xi32, #tpu.memory_space<vmem>>
      %dma_wait3A_383 = tpu.memref_squeeze %dma_wait3A_382 : memref<1x128xi32, #tpu.memory_space<vmem>> -> memref<128xi32, #tpu.memory_space<vmem>>
      %dma_wait3A_384 = arith.constant 0 : i32
      %dma_wait3A_385 = arith.constant 0 : i32
      %dma_wait3A_386 = tpu.memref_slice %arg10[%dma_wait3A_384, %dma_wait3A_385] : memref<4000x128xf32, #tpu.memory_space<vmem_shared>> -> memref<4000x128xf32, #tpu.memory_space<vmem_shared>>
      tpu.wait_indirect_dma semaphore(%arg20 : memref<!tpu.dma_semaphore, #tpu.memory_space<semaphore_mem>>) src(%dma_wait3A_386 : memref<4000x128xf32, #tpu.memory_space<vmem_shared>>) dst(%arg15 : memref<128x128xf32, #tpu.memory_space<vmem>>)
      %jit3A_387 = arith.constant 50 : i32
      %eq3A_388 = arith.constant 0 : i32
      %eq3A_389 = arith.cmpi eq, %jit3A_387, %eq3A_388 : i32
      %jit3A_390 = arith.constant 1 : i32
      %select_n3A_391 = arith.select %eq3A_389, %jit3A_390, %jit3A_387 : i32
      %rem3A_392 = arith.remsi %add3A_364, %select_n3A_391 : i32
      %ne3A_393 = arith.constant 0 : i32
      %ne3A_394 = arith.cmpi ne, %rem3A_392, %ne3A_393 : i32
      %lt3A_395 = arith.constant 0 : i32
      %lt3A_396 = arith.cmpi slt, %rem3A_392, %lt3A_395 : i32
      %lt3A_397 = arith.constant 0 : i32
      %lt3A_398 = arith.cmpi slt, %select_n3A_391, %lt3A_397 : i32
      %ne3A_399 = arith.xori %lt3A_396, %lt3A_398 : i1
      %and3A_400 = arith.andi %ne3A_399, %ne3A_394 : i1
      %add3A_401 = arith.addi %rem3A_392, %select_n3A_391 : i32
      %select_n3A_402 = arith.select %and3A_400, %add3A_401, %rem3A_392 : i32
      %mul3A_403 = arith.constant 128 : i32
      %mul3A_404 = arith.muli %select_n3A_402, %mul3A_403 : i32
      %add3A_405 = arith.addi %mul3A_2, %mul3A_404 : i32
      %dma_start3A_406 = arith.constant 0 : i32
      %dma_start3A_407 = tpu.memref_slice %arg7[%add3A_405, %dma_start3A_406] : memref<204800x128xf32, #tpu.memory_space<hbm>> -> memref<128x128xf32, #tpu.memory_space<hbm>>
      %dma_start3A_408 = arith.constant 0 : i32
      %dma_start3A_409 = tpu.memref_slice %arg7[%add3A_405, %dma_start3A_408] : memref<204800x128xf32, #tpu.memory_space<hbm>> -> memref<128x128xf32, #tpu.memory_space<hbm>>
      tpu.enqueue_dma source(%arg15 : memref<128x128xf32, #tpu.memory_space<vmem>>) target(%dma_start3A_409 : memref<128x128xf32, #tpu.memory_space<hbm>>) target_semaphore(%arg25 : memref<!tpu.dma_semaphore, #tpu.memory_space<semaphore_mem>>)
      %add3A_410 = arith.constant 3 : i32
      %add3A_411 = arith.addi %add3A_364, %add3A_410 : i32
      %ge3A_412 = arith.constant 5 : i32
      %ge3A_413 = arith.cmpi sge, %add3A_411, %ge3A_412 : i32
      %add3A_414 = arith.constant 3 : i32
      %add3A_415 = arith.addi %add3A_364, %add3A_414 : i32
      %lt3A_416 = arith.constant 50 : i32
      %lt3A_417 = arith.cmpi slt, %add3A_415, %lt3A_416 : i32
      %and3A_418 = arith.andi %ge3A_413, %lt3A_417 : i1
      %convert_element_type3A_419 = arith.extui %and3A_418 : i1 to i32
      %cond3A_420 = arith.constant 0 : i32
      %cond3A_421 = arith.cmpi ne, %convert_element_type3A_419, %cond3A_420 : i32
      scf.if %cond3A_421 {
        %dma_wait3A_429 = arith.constant 0 : i32
        %dma_wait3A_430 = tpu.memref_slice %arg7[%mul3A_2, %dma_wait3A_429] : memref<204800x128xf32, #tpu.memory_space<hbm>> -> memref<128x128xf32, #tpu.memory_space<hbm>>
        %dma_wait3A_431 = arith.constant 0 : i32
        %dma_wait3A_432 = tpu.memref_slice %arg7[%mul3A_2, %dma_wait3A_431] : memref<204800x128xf32, #tpu.memory_space<hbm>> -> memref<128x128xf32, #tpu.memory_space<hbm>>
        tpu.wait_dma2 semaphore(%arg23 : memref<!tpu.dma_semaphore, #tpu.memory_space<semaphore_mem>>) src(%arg13 : memref<128x128xf32, #tpu.memory_space<vmem>>) dst(%dma_wait3A_432 : memref<128x128xf32, #tpu.memory_space<hbm>>)
      } else {
      }
      %add3A_422 = arith.constant 3 : i32
      %add3A_423 = arith.addi %add3A_364, %add3A_422 : i32
      %lt3A_424 = arith.constant 50 : i32
      %lt3A_425 = arith.cmpi slt, %add3A_423, %lt3A_424 : i32
      %convert_element_type3A_426 = arith.extui %lt3A_425 : i1 to i32
      %cond3A_427 = arith.constant 0 : i32
      %cond3A_428 = arith.cmpi ne, %convert_element_type3A_426, %cond3A_427 : i32
      scf.if %cond3A_428 {
        %add3A_429 = arith.constant 3 : i32
        %add3A_430 = arith.addi %add3A_364, %add3A_429 : i32
        %jit3A_431 = arith.constant 50 : i32
        %eq3A_432 = arith.constant 0 : i32
        %eq3A_433 = arith.cmpi eq, %jit3A_431, %eq3A_432 : i32
        %jit3A_434 = arith.constant 1 : i32
        %select_n3A_435 = arith.select %eq3A_433, %jit3A_434, %jit3A_431 : i32
        %rem3A_436 = arith.remsi %add3A_430, %select_n3A_435 : i32
        %ne3A_437 = arith.constant 0 : i32
        %ne3A_438 = arith.cmpi ne, %rem3A_436, %ne3A_437 : i32
        %lt3A_439 = arith.constant 0 : i32
        %lt3A_440 = arith.cmpi slt, %rem3A_436, %lt3A_439 : i32
        %lt3A_441 = arith.constant 0 : i32
        %lt3A_442 = arith.cmpi slt, %select_n3A_435, %lt3A_441 : i32
        %ne3A_443 = arith.xori %lt3A_440, %lt3A_442 : i1
        %and3A_444 = arith.andi %ne3A_443, %ne3A_438 : i1
        %add3A_445 = arith.addi %rem3A_436, %select_n3A_435 : i32
        %select_n3A_446 = arith.select %and3A_444, %add3A_445, %rem3A_436 : i32
        %dma_start3A_447 = arith.constant 0 : i32
        %dma_start3A_448 = tpu.memref_slice %arg9[%select_n3A_446, %dma_start3A_447] : memref<50x128xi32, #tpu.memory_space<vmem>> -> memref<1x128xi32, #tpu.memory_space<vmem>>
        %dma_start3A_449 = tpu.memref_squeeze %dma_start3A_448 : memref<1x128xi32, #tpu.memory_space<vmem>> -> memref<128xi32, #tpu.memory_space<vmem>>
        %dma_start3A_450 = arith.constant 0 : i32
        %dma_start3A_451 = arith.constant 0 : i32
        %dma_start3A_452 = tpu.memref_slice %arg10[%dma_start3A_450, %dma_start3A_451] : memref<4000x128xf32, #tpu.memory_space<vmem_shared>> -> memref<4000x128xf32, #tpu.memory_space<vmem_shared>>
        tpu.enqueue_indirect_dma source(%dma_start3A_452 : memref<4000x128xf32, #tpu.memory_space<vmem_shared>>) target(%arg13 : memref<128x128xf32, #tpu.memory_space<vmem>>) offsets(%dma_start3A_449 : memref<128xi32, #tpu.memory_space<vmem>>) semaphore(%arg18 : memref<!tpu.dma_semaphore, #tpu.memory_space<semaphore_mem>>)
      } else {
      }
    }
    %scan3A_69 = arith.constant 10 : i32
    %dma_wait3A = arith.constant 0 : i32
    %dma_wait3A_70 = tpu.memref_slice %arg7[%mul3A_2, %dma_wait3A] : memref<204800x128xf32, #tpu.memory_space<hbm>> -> memref<128x128xf32, #tpu.memory_space<hbm>>
    %dma_wait3A_71 = arith.constant 0 : i32
    %dma_wait3A_72 = tpu.memref_slice %arg7[%mul3A_2, %dma_wait3A_71] : memref<204800x128xf32, #tpu.memory_space<hbm>> -> memref<128x128xf32, #tpu.memory_space<hbm>>
    tpu.wait_dma2 semaphore(%arg21 : memref<!tpu.dma_semaphore, #tpu.memory_space<semaphore_mem>>) src(%arg11 : memref<128x128xf32, #tpu.memory_space<vmem>>) dst(%dma_wait3A_72 : memref<128x128xf32, #tpu.memory_space<hbm>>)
    %dma_wait3A_73 = arith.constant 0 : i32
    %dma_wait3A_74 = tpu.memref_slice %arg7[%mul3A_2, %dma_wait3A_73] : memref<204800x128xf32, #tpu.memory_space<hbm>> -> memref<128x128xf32, #tpu.memory_space<hbm>>
    %dma_wait3A_75 = arith.constant 0 : i32
    %dma_wait3A_76 = tpu.memref_slice %arg7[%mul3A_2, %dma_wait3A_75] : memref<204800x128xf32, #tpu.memory_space<hbm>> -> memref<128x128xf32, #tpu.memory_space<hbm>>
    tpu.wait_dma2 semaphore(%arg22 : memref<!tpu.dma_semaphore, #tpu.memory_space<semaphore_mem>>) src(%arg12 : memref<128x128xf32, #tpu.memory_space<vmem>>) dst(%dma_wait3A_76 : memref<128x128xf32, #tpu.memory_space<hbm>>)
    %dma_wait3A_77 = arith.constant 0 : i32
    %dma_wait3A_78 = tpu.memref_slice %arg7[%mul3A_2, %dma_wait3A_77] : memref<204800x128xf32, #tpu.memory_space<hbm>> -> memref<128x128xf32, #tpu.memory_space<hbm>>
    %dma_wait3A_79 = arith.constant 0 : i32
    %dma_wait3A_80 = tpu.memref_slice %arg7[%mul3A_2, %dma_wait3A_79] : memref<204800x128xf32, #tpu.memory_space<hbm>> -> memref<128x128xf32, #tpu.memory_space<hbm>>
    tpu.wait_dma2 semaphore(%arg23 : memref<!tpu.dma_semaphore, #tpu.memory_space<semaphore_mem>>) src(%arg13 : memref<128x128xf32, #tpu.memory_space<vmem>>) dst(%dma_wait3A_80 : memref<128x128xf32, #tpu.memory_space<hbm>>)
    %dma_wait3A_81 = arith.constant 0 : i32
    %dma_wait3A_82 = tpu.memref_slice %arg7[%mul3A_2, %dma_wait3A_81] : memref<204800x128xf32, #tpu.memory_space<hbm>> -> memref<128x128xf32, #tpu.memory_space<hbm>>
    %dma_wait3A_83 = arith.constant 0 : i32
    %dma_wait3A_84 = tpu.memref_slice %arg7[%mul3A_2, %dma_wait3A_83] : memref<204800x128xf32, #tpu.memory_space<hbm>> -> memref<128x128xf32, #tpu.memory_space<hbm>>
    tpu.wait_dma2 semaphore(%arg24 : memref<!tpu.dma_semaphore, #tpu.memory_space<semaphore_mem>>) src(%arg14 : memref<128x128xf32, #tpu.memory_space<vmem>>) dst(%dma_wait3A_84 : memref<128x128xf32, #tpu.memory_space<hbm>>)
    %dma_wait3A_85 = arith.constant 0 : i32
    %dma_wait3A_86 = tpu.memref_slice %arg7[%mul3A_2, %dma_wait3A_85] : memref<204800x128xf32, #tpu.memory_space<hbm>> -> memref<128x128xf32, #tpu.memory_space<hbm>>
    %dma_wait3A_87 = arith.constant 0 : i32
    %dma_wait3A_88 = tpu.memref_slice %arg7[%mul3A_2, %dma_wait3A_87] : memref<204800x128xf32, #tpu.memory_space<hbm>> -> memref<128x128xf32, #tpu.memory_space<hbm>>
    tpu.wait_dma2 semaphore(%arg25 : memref<!tpu.dma_semaphore, #tpu.memory_space<semaphore_mem>>) src(%arg15 : memref<128x128xf32, #tpu.memory_space<vmem>>) dst(%dma_wait3A_88 : memref<128x128xf32, #tpu.memory_space<hbm>>)
    return
  }
}

</mosaic_0001>

<sc_bundles>
// kernel: _rvq_embed.3.cloned.1.call-start
scs
__scs_entry_jumppad:
0x0: {  	(pc) =	sbr.rel $0x88, $3  }
0x1: {  	(tag) =	ssettag $0x0;
	lr =	simm.s32 $0x1  }
0x2: {  	[smem:$0x3F9C] =	sst lr;
	_ =	strace $0xD0000000  }
0x3: {  	_ = 	snop  }
0x4: {  	_ = 	snop  }
0x5: {  	_ = 	snop  }
0x6: {  	_ = 	snop  }
0x7: {  	_ = 	snop  }
__scs_overlays_trampoline_lowered:
0x8: {  	[smem:$0x3FAB] =	sst s0  }
0x9: {  	[smem:$0x3FAC] =	sst s1  }
0xa: {  	[smem:$0x3FAD] =	sst s2  }
0xb: {  	[smem:$0x3FAE] =	sst s3  }
0xc: {  	[smem:$0x3FAF] =	sst s4  }
0xd: {  	[smem:$0x3FB0] =	sst s5  }
0xe: {  	[smem:$0x3FB1] =	sst s6  }
0xf: {  	[smem:$0x3FB2] =	sst s7  }
0x10: {  	[smem:$0x3FB3] =	sst s8  }
0x11: {  	[smem:$0x3FB4] =	sst s9;
	s0 =	simm.s32 @!p0 $0x0  }
0x12: {  	s1 =	sld [smem:$0x3F9A];
	s0 =	simm.s32 @p0 $0x1  }
0x13: {  	[smem:$0x3FB5] =	sst s0;
	s0 =	simm.s32 @!p1 $0x0  }
0x14: {  	s2 =	sld [smem:$0x3F99];
	s0 =	simm.s32 @p1 $0x1  }
0x15: {  	[smem:$0x3FB6] =	sst s0;
	s0 =	simm.s32 @!p2 $0x0  }
0x16: {  	s3 =	sld [smem:$0x3FDB];
	s0 =	simm.s32 @p2 $0x1  }
0x17: {  	s4 =	simm.s32 $0x1BF5;
	[smem:$0x3FB8] =	sst s0  }
0x18: {  	s0 =	sld [smem:$0x3F9B];
	_ =	swait.ge [sflag:s4], $0x0  }
0x19: {  	s7 =	sld [smem:$0x3F9C]  }
0x1a: {  	s8 =	sadd.s32 $0xFFFFE003, lr  }
0x1b: {  	s9 =	sadd.s32 $0xFFFFFEF7, lr;
	s5 =	simm.s32 $0xFFFFFFFF;
	p2 =	slt.u32 s8, $0xFFFFF086  }
0x1c: {  	p1 =	slt.u32 s9, $0xF7A;
	s5 =	simm.s32 @!p2 $0x0  }
0x1d: {  	s5 =	simm.s32 @p1 $0x1;
	p0 =	seq.s32 s7, s2  }
0x1e: {  	s7 =	smul.u32 @!p0 $0xF7A, s2;
	p2 =	seq.s32 @!p0 s5, $0x0  }
0x1f: {  	s9 =	smul.u32 $0xF7A, s1;
	s8 =	simm.s32 @!p0 $0x1BF5;
	p2 =	por !p2, p0  }
0x20: {  	[sflag:s8] =	ssyncset.s32 @!p0 $0xFFFFF086;
	s6 =	sadd.s32 @!p0 s3, s7;
	s7 =	simm.s32 @!p0 $0x108  }
0x21: {  	s3 =	sadd.s32 s3, s9;
	s6 =	sadd.s32 @!p0 $0x88, s6;
	s7 =	simm.s32 @p2 $0x1082  }
0x22: {  	[simem:s7], [sflag:s8] =	dma.local @!p0 [hbm:s6], $0xF7A  }
0x23: {  	s9 =	sor.u32 $0xD0000000, s2;
	s6 =	simm.s32 $0x108;
	_ =	swait.ge @!p0 [sflag:s8], $0x0  }
0x24: {  	s3 =	sadd.s32 $0x88, s3;
	s6 =	simm.s32 @!p1 $0x1082;
	[sflag:s4] =	ssyncset.s32 $0xFFFFF086  }
0x25: {  	[simem:s6], [sflag:s4] =	dma.local [hbm:s3], $0xF7A  }
0x26: {  	[smem:$0x3F9C] =	sst s1;
	(tag) =	ssettag s2;
	_ =	strace s9  }
0x27: {  	s1 =	sld [smem:$0x3FAC]  }
0x28: {  	s2 =	sld [smem:$0x3FAD]  }
0x29: {  	s4 =	sld [smem:$0x3FAF]  }
0x2a: {  	p0 =	seq.s32 s5, $0x0;
	s5 =	sld [smem:$0x3FB0]  }
0x2b: {  	s6 =	sld [smem:$0x3FB1]  }
0x2c: {  	s7 =	sld [smem:$0x3FB2]  }
0x2d: {  	s3 =	simm.s32 $0x108;
	s8 =	sld [smem:$0x3FB3]  }
0x2e: {  	s3 =	simm.s32 @!p0 $0x1082;
	s9 =	sld [smem:$0x3FB4]  }
0x2f: {  	lr =	sadd.s32 s0, s3;
	s0 =	sld [smem:$0x3FAB]  }
0x30: {  	s3 =	sld [smem:$0x3FAE]  }
0x31: {  	[smem:$0x3FB7] =	sst s10  }
0x32: {  	s10 =	sld [smem:$0x3FB5];
	_ =	sdelay $0x3  }
0x33: {  	p0 =	seq.s32 s10, $0x1;
	s10 =	sld [smem:$0x3FB7];
	_ =	sdelay $0x3  }
0x34: {  	[smem:$0x3FB7] =	sst s10  }
0x35: {  	s10 =	sld [smem:$0x3FB6];
	_ =	sdelay $0x3  }
0x36: {  	p1 =	seq.s32 s10, $0x1;
	s10 =	sld [smem:$0x3FB7];
	_ =	sdelay $0x3  }
0x37: {  	[smem:$0x3FB7] =	sst s10  }
0x38: {  	s10 =	sld [smem:$0x3FB8]  }
0x39: {  	_ = 	snop;
	(pc) =	sbr.ind lr, $3  }
0x3a: {  	_ = 	snop  }
0x3b: {  	_ = 	snop  }
0x3c: {  	p2 =	seq.s32 s10, $0x1;
	s10 =	sld [smem:$0x3FB7]  }
0x3d: {  	_ =	shalt  }
0x3e: {  	_ =	shalt  }
0x3f: {  	_ =	shalt  }
0x40: {  	_ =	shalt  }
0x41: {  	_ =	shalt  }
0x42: {  	_ =	shalt  }
0x43: {  	_ =	shalt  }
0x44: {  	_ =	shalt  }
0x45: {  	_ =	shalt  }
0x46: {  	_ =	shalt  }
0x47: {  	_ =	shalt  }
0x48: {  	_ =	shalt  }
0x49: {  	_ =	shalt  }
0x4a: {  	_ =	shalt  }
0x4b: {  	_ =	shalt  }
0x4c: {  	_ =	shalt  }
0x4d: {  	_ =	shalt  }
0x4e: {  	_ =	shalt  }
0x4f: {  	_ =	shalt  }
0x50: {  	_ =	shalt  }
0x51: {  	_ =	shalt  }
0x52: {  	_ =	shalt  }
0x53: {  	_ =	shalt  }
0x54: {  	_ =	shalt  }
0x55: {  	_ =	shalt  }
0x56: {  	_ =	shalt  }
0x57: {  	_ =	shalt  }
0x58: {  	_ =	shalt  }
0x59: {  	_ =	shalt  }
0x5a: {  	_ =	shalt  }
0x5b: {  	_ =	shalt  }
0x5c: {  	_ =	shalt  }
0x5d: {  	_ =	shalt  }
0x5e: {  	_ =	shalt  }
0x5f: {  	_ =	shalt  }
0x60: {  	_ =	shalt  }
0x61: {  	_ =	shalt  }
0x62: {  	_ =	shalt  }
0x63: {  	_ =	shalt  }
0x64: {  	_ =	shalt  }
0x65: {  	_ =	shalt  }
0x66: {  	_ =	shalt  }
0x67: {  	_ =	shalt  }
0x68: {  	_ =	shalt  }
0x69: {  	_ =	shalt  }
0x6a: {  	_ =	shalt  }
0x6b: {  	_ =	shalt  }
0x6c: {  	_ =	shalt  }
0x6d: {  	_ =	shalt  }
0x6e: {  	_ =	shalt  }
0x6f: {  	_ =	shalt  }
0x70: {  	_ =	shalt  }
0x71: {  	_ =	shalt  }
0x72: {  	_ =	shalt  }
0x73: {  	_ =	shalt  }
0x74: {  	_ =	shalt  }
0x75: {  	_ =	shalt  }
0x76: {  	_ =	shalt  }
0x77: {  	_ =	shalt  }
0x78: {  	_ =	shalt  }
0x79: {  	_ =	shalt  }
0x7a: {  	_ =	shalt  }
0x7b: {  	_ =	shalt  }
0x7c: {  	_ =	shalt  }
0x7d: {  	_ =	shalt  }
0x7e: {  	_ =	shalt  }
0x7f: {  	_ =	shalt  }
0x80: {  	_ =	shalt  }
0x81: {  	_ =	shalt  }
0x82: {  	_ =	shalt  }
0x83: {  	_ =	shalt  }
0x84: {  	_ =	shalt  }
0x85: {  	_ =	shalt  }
0x86: {  	_ =	shalt  }
0x87: {  	_ =	shalt  }
.Lfunc_end0:
.L_simem_size_0:
called_computation_lowered:
.L_overlay_start_0:
0x88: {  	s2 =	sld [smem:$0x3FD9]  }
0x89: {  	s3 =	sld [smem:$0x3FFE];
	_ =	sdelay $0x1  }
0x8a: {  	s1 =	srdreg.scid  }
0x8b: {  	s0 =	sand.u32 $0x1, s1  }
0x8c: {  	s18 =	sshll.u32 s0, $0xA;
	s2 =	sadd.s32 s3, s2  }
0x8d: {  	s2 =	sadd.s32 s2, s18  }
0x8e: {  	[smem:$0x3FC3] =	sst s2  }
0x8f: {  	_ = 	snop  }
0x90: {  	s2 =	sld [smem:$0x3FC9]  }
0x91: {  	s19 =	sld [smem:$0x3FC8]  }
0x92: {  	s4 =	sld [smem:$0x3FC7]  }
0x93: {  	s5 =	sld [smem:$0x3FC6]  }
0x94: {  	s6 =	sld [smem:$0x3FC5]  }
0x95: {  	s7 =	sld [smem:$0x3FD0];
	(tm) =	ssettm $0x1  }
0x96: {  	s8 =	sld [smem:$0x3FFB];
	_ =	sdelay $0x3  }
0x97: {  	_ =	strace s8  }
0x98: {  	s8 =	sld [smem:$0x3FFC];
	_ =	sdelay $0x3  }
0x99: {  	_ =	strace s8  }
0x9a: {  	s8 =	sld [smem:$0x3FFD];
	_ =	sdelay $0x3  }
0x9b: {  	_ =	strace s8  }
0x9c: {  	_ =	strace $0x8FFFFFFF  }
0x9d: {  	s20 =	sld [smem:$0x3FDB];
	_ =	sdelay $0x1  }
0x9e: {  	s9 =	simm.s32 $_scs_section_size  }
0x9f: {  	s10 =	simm.s32 $_size__tile_overlayer_lowered;
	s11 =	simm.s32 $_tile_overlayer_lowered  }
0xa0: {  	s23 =	simm.s32 $0x1BFF;
	s22 =	sshll.u32 s11, $0x1;
	s8 =	sadd.s32 s9, s20  }
0xa1: {  	s12 =	simm.s32 $0x0;
	s21 =	sshll.u32 s10, $0x1;
	s10 =	sadd.s32 s22, s8  }
0xa2: {  	[timem:s12], [sflag:s23] =	dma.local [hbm:s10], s21  }
0xa3: {  	_ =	swait.ge [sflag:s23], s21  }
0xa4: {  	s9 =	ssub.s32 $0x0, s21;
	[sflag:s23] =	ssyncset.done $0x0  }
0xa5: {  	[sflag:s23] =	ssyncadd.s32 s9;
	_ =	sdelay $0x1  }
0xa6: {  	s24 =	simm.s32 $0x1B8B  }
0xa7: {  	_ =	swait.ge [sflag:s24], $0x1  }
0xa8: {  	[sflag:s24] =	ssyncset.done $0x0  }
0xa9: {  	s25 =	simm.s32 $0x1B8E;
	[sflag:s24] =	ssyncadd.s32 $0xFFFFFFFF  }
0xaa: {  	s26 =	simm.s32 $execute0_lowered;
	[smem:$0x3FD2] =	sst s25  }
0xab: {  	s9 =	sshll.u32 s26, $0x1;
	_ =	strace $0x80000046;
	[dreg:$0x1] =	wrdreg $0xFFFFFFFF  }
0xac: {  	s28 =	simm.s32 $_size_execute0_lowered;
	s8 =	sadd.s32 s8, s9;
	[dreg:$0x0] =	wrdreg $0x0  }
0xad: {  	s9 =	sshll.u32 s28, $0x1;
	[dreg:$0x2] =	wrdreg s8  }
0xae: {  	[dreg:$0x3] =	wrdreg s9  }
0xaf: {  	[dreg:$0x4] =	wrdreg $0xC0  }
0xb0: {  	_ =	task [dreg:s12], $0x5FFFF  }
0xb1: {  	[dreg:$0x1] =	wrdreg $0xFFFFFFFF  }
0xb2: {  	[dreg:$0x0] =	wrdreg $0x60  }
0xb3: {  	[dreg:$0x2] =	wrdreg s2  }
0xb4: {  	[dreg:$0x3] =	wrdreg s19  }
0xb5: {  	[dreg:$0x4] =	wrdreg s4  }
0xb6: {  	[dreg:$0x5] =	wrdreg s5  }
0xb7: {  	[dreg:$0x6] =	wrdreg s6  }
0xb8: {  	[dreg:$0x7] =	wrdreg s7  }
0xb9: {  	[dreg:$0x8] =	wrdreg $0x35000  }
0xba: {  	[dreg:$0x9] =	wrdreg $0x9  }
0xbb: {  	_ =	task.clear_ibuf [dreg:s12], $0xAFFFF;
	_ =	strace $0x90000046  }
0xbc: {  	s29 =	simm.s32 $0x9;
	_ =	strace $0x80000048  }
0xbd: {  	_ =	swait.ge [sflag:s29], $0x1  }
0xbe: {  	[sflag:s29] =	ssyncadd.s32 $0xFFFFFFFF  }
0xbf: {  	_ =	strace $0x90000048  }
0xc0: {  	_ =	sfence  }
0xc1: {  	s30 =	sld [smem:$0x0];
	_ =	sdelay $0x2  }
0xc2: {  	s31 =	sshll.u32 s1, $0xD;
	s1 =	sshrl.u32 s1, $0x2  }
0xc3: {  	s3 =	sand.u32 $0x4000, s31;
	s1 =	sadd.s32 s1, s30  }
0xc4: {  	s0 =	sor.u32 s3, s0;
	s1 =	sshll.u32 s1, $0x11  }
0xc5: {  	s0 =	sor.u32 s1, s0  }
0xc6: {  	s0 =	sadd.s32 $0x8F2B, s0  }
0xc7: {  	[sflag:s0] =	ssyncadd.remote.s32 $0x1  }
0xc8: {  	_ =	sfence.sel $0xFFFF  }
0xc9: {  	[dreg:$0x0] =	wrdreg $0xFFFFFFFF;
	(pc) =	sbr.abs _section_cstart, $3  }
0xca: {  	[dreg:$0x1] =	wrdreg $0xFFFFFFFF  }
0xcb: {  	_ =	task.clear_ibuf [dreg:s12], $0x2FFFF;
	_ =	strace $0x9FFFFFFF  }
0xcc: {  	(tm) =	ssettm $0x7FFFFFFF  }
0xcd: {  	_ =	shalt  }
tec
execute0_lowered:
.L_overlay_start_1:
0x0: {  	(tag) =	ssettag $0x1  }
0x1: {  	s0 =	rddreg [dreg:$0x0]  }
0x2: {  	s3 =	rddreg [dreg:$0x1]  }
0x3: {  	s4 =	rddreg [dreg:$0x2]  }
0x4: {  	s5 =	rddreg [dreg:$0x3]  }
0x5: {  	s6 =	rddreg [dreg:$0x4]  }
0x6: {  	s7 =	rddreg [dreg:$0x5]  }
0x7: {  	s1 =	rddreg [dreg:$0x6];
	s8 =	srdreg.scid;
	s2 =	simm.s32 $0x0  }
0x8: {  	s17 =	stileid.u32;
	s28 =	simm.s32 $0xB200;
	s30 =	simm.s32 $0xF200  }
0x9: {  	s29 =	simm.s32 $0x17200;
	s31 =	simm.s32 $0x1B200;
	s8 =	sand.u32 $0x1, s8  }
0xa: {  	[smem:$0x7FF] =	sst s2;
	s20 =	sshll.u32 s17, $0x1;
	s11 =	sshll.u32 s17, $0xD  }
0xb: {  	s21 =	sshll.u32 s17, $0xA;
	s16 =	sadd.s32 $0x5C800, s1;
	s23 =	smul.u32 $0x32000, s17  }
0xc: {  	p0 =	seq.s32 s17, $0xF;
	s9 =	ssub.s32 $0x2, s8;
	s12 =	sadd.s32 s3, s21  }
0xd: {  	_ =	strace $0x80000047;
	s13 =	sadd.s32 s4, s21;
	[dreg:$0x9] =	wrdreg s12  }
0xe: {  	s14 =	sadd.s32 s11, s1;
	s15 =	sadd.s32 s5, s21;
	[dreg:$0xa] =	wrdreg s13  }
0xf: {  	s11 =	sadd.s32 s6, s21;
	s3 =	sadd.s32 $0x3C00, s3;
	[dreg:$0xb] =	wrdreg s15  }
0x10: {  	s4 =	sadd.s32 $0x3C00, s4;
	s5 =	sadd.s32 $0x3C00, s5;
	[dreg:$0x8] =	wrdreg s14  }
0x11: {  	s24 =	smul.u32 $0x19000, s8;
	s6 =	sadd.s32 $0x3C00, s6;
	[dreg:$0xc] =	wrdreg s11  }
0x12: {  	s10 =	sshrl.u32 s9, $0x1;
	s12 =	sadd.s32 $0x1F400, s14;
	[dreg:$0xd] =	wrdreg s3  }
0x13: {  	s13 =	sadd.s32 $0x3E800, s14;
	s14 =	sadd.s32 $0x5DC00, s14;
	[dreg:$0xe] =	wrdreg s4  }
0x14: {  	s11 =	sadd.s32 $0x1E000, s1;
	s3 =	sadd.s32 $0x3D400, s1;
	[dreg:$0xf] =	wrdreg s5  }
0x15: {  	s5 =	sadd.s32 $0x7BC00, s1;
	[dreg:$0x11] =	wrdreg s6;
	s4 =	sadd.s32 s23, s7  }
0x16: {  	s6 =	simm.s32 $0x5;
	s9 =	ssub.s32 s9, s10;
	s10 =	sor.u32 s8, s20  }
0x17: {  	s23 =	sshrl.u32 @!p0 s14, $0x3;
	s8 =	simm.s32 $0x7;
	s22 =	smul.u32 $0x320, s10  }
0x18: {  	s10 =	smul.u32 $0x19000, s10;
	s26 =	smax.u32 s9, $0x1;
	s9 =	simm.s32 $0x8  }
0x19: {  	[dreg:$0x12] =	wrdreg s26;
	s26 =	simm.s32 $0x1;
	s0 =	sadd.s32 s0, s22  }
0x1a: {  	s25 =	sadd.s32 s7, s10;
	s22 =	sshrl.u32 @!p0 s13, $0x3;
	s7 =	simm.s32 $0x6  }
0x1b: {  	s10 =	simm.s32 $0x9;
	[dreg:$0x10] =	wrdreg s0;
	s0 =	sadd.s32 s24, s4  }
0x1c: {  	s15 =	sadd.s32 $0x18000, s25;
	s24 =	simm.s32 $0xC;
	s0 =	sadd.s32 $0x1000, s0  }
0x1d: {  	s25 =	simm.s32 $0x80;
	[dreg:$0x13] =	wrdreg s0;
	s0 =	sshrl.u32 @p0 s11, $0x3  }
.Ltmp0:
0x1e: {  	[dreg:$0x14] =	wrdreg s0;
	s0 =	sshrl.u32 @p0 s3, $0x3;
	(pc) =	sbr.rel .LBB2_1-.Ltmp0, $4  }
0x1f: {  	v0 =	vlaneseq.u32;
	s11 =	simm.s32 $0xA;
	[dreg:$0x15] =	wrdreg s0;
	s0 =	sshrl.u32 @p0 s16, $0x3  }
0x20: {  	v0 =	vand.u32 $0x3, v0;
	s3 =	simm.s32 $0x2;
	[dreg:$0x16] =	wrdreg s0;
	s0 =	sshrl.u32 @p0 s5, $0x3  }
0x21: {  	v0 =	vmul.u32 $0x3E8, v0;
	s5 =	simm.s32 $0x3;
	[dreg:$0x17] =	wrdreg s0;
	s0 =	sshrl.u32 @!p0 s12, $0x3  }
0x22: {  	s12 =	simm.s32 $0x0;
	[dreg:$0x18] =	wrdreg s0;
	s0 =	simm.s32 $0x13200  }
.LBB2_6:
0x23: {  	_ =	swait.ge [sflag:s7], $0x4000  }
0x24: {  	[sflag:s7] =	ssyncset.done $0x0  }
0x25: {  	[sflag:s7] =	ssyncadd.s32 $0xFFFFC000  }
0x26: {  	_ =	swait.ge [sflag:s8], $0x4000  }
0x27: {  	[sflag:s8] =	ssyncset.done $0x0  }
0x28: {  	[sflag:s8] =	ssyncadd.s32 $0xFFFFC000  }
0x29: {  	_ =	swait.ge [sflag:s9], $0x4000  }
0x2a: {  	[sflag:s9] =	ssyncset.done $0x0  }
0x2b: {  	[sflag:s9] =	ssyncadd.s32 $0xFFFFC000  }
0x2c: {  	_ =	swait.ge [sflag:s10], $0x4000  }
0x2d: {  	[sflag:s10] =	ssyncset.done $0x0  }
0x2e: {  	[sflag:s10] =	ssyncadd.s32 $0xFFFFC000  }
0x2f: {  	_ =	swait.ge [sflag:s11], $0x4000  }
0x30: {  	s12 =	sadd.s32 $0x1, s12;
	s4 =	rddreg [dreg:$0x12]  }
0x31: {  	p1 =	sne.s32 s12, s4  }
.Ltmp1:
0x32: {  	_ = 	snop;
	(pc) =	sbr.rel @!p1 .LBB2_7-.Ltmp1, $3  }
0x33: {  	_ =	sdelay $0x1  }
0x34: {  	[sflag:s11] =	ssyncset.done $0x0  }
0x35: {  	[sflag:s11] =	ssyncadd.s32 $0xFFFFC000  }
.LBB2_1:
0x36: {  	s4 =	rddreg [dreg:$0xd]  }
0x37: {  	s13 =	simm.s32 @p0 $0x1FCB;
	s14 =	rddreg [dreg:$0x14]  }
0x38: {  	[spmem:s14], [sflag:s13] =	dma.local @p0 [hbm:s4], $0x280  }
0x39: {  	s4 =	rddreg [dreg:$0xe]  }
0x3a: {  	s14 =	rddreg [dreg:$0x15]  }
0x3b: {  	[spmem:s14], [sflag:s13] =	dma.local @p0 [hbm:s4], $0x280  }
0x3c: {  	s4 =	rddreg [dreg:$0xf]  }
0x3d: {  	s14 =	rddreg [dreg:$0x16]  }
0x3e: {  	[spmem:s14], [sflag:s13] =	dma.local @p0 [hbm:s4], $0x280  }
0x3f: {  	s4 =	rddreg [dreg:$0x11]  }
0x40: {  	s14 =	rddreg [dreg:$0x17]  }
0x41: {  	[spmem:s14], [sflag:s13] =	dma.local @p0 [hbm:s4], $0x280  }
0x42: {  	s4 =	stileid.u32  }
0x43: {  	s13 =	sshll.u32 @!p0 s4, $0x6;
	s4 =	rddreg [dreg:$0x8]  }
0x44: {  	s13 =	sor.u32 @!p0 $0x1C0B, s13;
	s14 =	sshrl.u32 @!p0 s4, $0x3;
	s4 =	rddreg [dreg:$0x9]  }
0x45: {  	[spmem:s14], [sflag:s13] =	dma.local @!p0 [hbm:s4], $0x400  }
0x46: {  	s4 =	rddreg [dreg:$0xa]  }
0x47: {  	s14 =	rddreg [dreg:$0x18]  }
0x48: {  	[spmem:s14], [sflag:s13] =	dma.local @!p0 [hbm:s4], $0x400  }
0x49: {  	s4 =	rddreg [dreg:$0xb]  }
0x4a: {  	[spmem:s22], [sflag:s13] =	dma.local @!p0 [hbm:s4], $0x400  }
0x4b: {  	s4 =	rddreg [dreg:$0xc]  }
0x4c: {  	[spmem:s23], [sflag:s13] =	dma.local @!p0 [hbm:s4], $0x400  }
0x4d: {  	s4 =	rddreg [dreg:$0x10]  }
0x4e: {  	[tilespmem:s2], [sflag:$0xC] =	stream.linear.gather [hbm4b:s4+s2], $0x1900, $0x38;
	[tilespmem:$0x1F200] =	vst v63  }
0x4f: {  	_ =	swait.ge [sflag:s24], $0x1900  }
0x50: {  	[sflag:s24] =	ssyncset.done $0x0  }
0x51: {  	s14 =	simm.s32 $0x0;
	[sflag:s24] =	ssyncadd.s32 $0xFFFFE700  }
0x52: {  	v2 =	vld [tilespmem:s14+$0x70]  }
0x53: {  	v5 =	vld [tilespmem:s14+$0x0]  }
0x54: {  	v6 =	vld [tilespmem:s14+$0x10]  }
0x55: {  	v4 =	vld [tilespmem:s14+$0x20]  }
0x56: {  	v3 =	vld [tilespmem:s14+$0x30]  }
0x57: {  	v1 =	vld [tilespmem:s14+$0x40];
	v7 =	vadd.s32 v0, v2  }
0x58: {  	v2 =	vld [tilespmem:s14+$0x50];
	v5 =	vadd.s32 v0, v5;
	[tilespmem:s14+$0x1970] =	vst v7  }
0x59: {  	s16 =	simm.s32 $0x400;
	s13 =	simm.s32 $0x80;
	v6 =	vadd.s32 v0, v6;
	[tilespmem:s14+$0x1900] =	vst v5;
	v5 =	vld [tilespmem:s14+$0x60]  }
.LBB2_2:
0x5a: {  	p1 =	sne.s32 s16, $0x6200;
	v7 =	vld [tilespmem:s13+$0x70];
	[tilespmem:s14+$0x1910] =	vst v6;
	v4 =	vadd.s32 v0, v4  }
0x5b: {  	v6 =	vld [tilespmem:s13+$0x0];
	[tilespmem:s14+$0x1920] =	vst v4;
	v3 =	vadd.s32 v0, v3  }
0x5c: {  	v8 =	vld [tilespmem:s13+$0x10];
	[tilespmem:s14+$0x1930] =	vst v3;
	v1 =	vadd.s32 v0, v1  }
.Ltmp2:
0x5d: {  	v4 =	vld [tilespmem:s13+$0x20];
	[tilespmem:s14+$0x1940] =	vst v1;
	v1 =	vadd.s32 v0, v2;
	(pc) =	sbr.rel @p1 .LBB2_2-.Ltmp2, $4  }
0x5e: {  	v3 =	vld [tilespmem:s13+$0x30];
	[tilespmem:s14+$0x1950] =	vst v1;
	v2 =	vadd.s32 v0, v5  }
0x5f: {  	v1 =	vld [tilespmem:s13+$0x40];
	v5 =	vadd.s32 v0, v7;
	[tilespmem:s14+$0x1960] =	vst v2;
	s14 =	smov.u32 s13  }
0x60: {  	v6 =	vadd.s32 v0, v6;
	v2 =	vld [tilespmem:s14+$0x50];
	[tilespmem:s14+$0x1970] =	vst v5  }
0x61: {  	s13 =	sshra.s32 s16, $0x2;
	s16 =	sadd.s32 $0x200, s16;
	[tilespmem:s14+$0x1900] =	vst v6;
	v6 =	vadd.s32 v0, v8;
	v5 =	vld [tilespmem:s14+$0x60]  }
0x62: {  	v7 =	vld [tilespmem:s13+$0x70];
	[tilespmem:s14+$0x1910] =	vst v6;
	v4 =	vadd.s32 v0, v4  }
0x63: {  	v6 =	vld [tilespmem:s13+$0x0];
	[tilespmem:s14+$0x1920] =	vst v4;
	v3 =	vadd.s32 v0, v3  }
0x64: {  	v4 =	vld [tilespmem:s13+$0x10];
	[tilespmem:s14+$0x1930] =	vst v3;
	v1 =	vadd.s32 v0, v1  }
0x65: {  	v3 =	vld [tilespmem:s13+$0x20];
	[tilespmem:s14+$0x1940] =	vst v1;
	v1 =	vadd.s32 v0, v2  }
0x66: {  	v2 =	vld [tilespmem:s13+$0x30];
	[tilespmem:s14+$0x1950] =	vst v1;
	v1 =	vadd.s32 v0, v5  }
0x67: {  	v61 =	vld [tilespmem:s13+$0x40];
	[tilespmem:s14+$0x1960] =	vst v1;
	v1 =	vadd.s32 v0, v7  }
0x68: {  	v62 =	vld [tilespmem:s13+$0x50];
	v6 =	vadd.s32 v0, v6;
	[tilespmem:s13+$0x1970] =	vst v1  }
0x69: {  	v63 =	vld [tilespmem:s13+$0x60];
	[tilespmem:s13+$0x1900] =	vst v6;
	v1 =	vadd.s32 v0, v4  }
0x6a: {  	[tilespmem:s13+$0x1910] =	vst v1;
	v1 =	vadd.s32 v0, v3  }
0x6b: {  	[tilespmem:s13+$0x1920] =	vst v1;
	v1 =	vadd.s32 v0, v2  }
0x6c: {  	[tilespmem:s13+$0x1930] =	vst v1;
	v1 =	vadd.s32 v0, v61  }
0x6d: {  	[tilespmem:s13+$0x1940] =	vst v1;
	v1 =	vadd.s32 v0, v62  }
0x6e: {  	[tilespmem:s13+$0x1950] =	vst v1;
	v1 =	vadd.s32 v0, v63  }
0x6f: {  	[tilespmem:s13+$0x1960] =	vst v1;
	s13 =	simm.s32 @p0 $0xB  }
0x70: {  	_ =	swait.ge @p0 [sflag:s13], $0x280  }
0x71: {  	[sflag:s13] =	ssyncset.done @p0 $0x0  }
0x72: {  	[sflag:s13] =	ssyncadd.s32 @p0 $0xFFFFFD80  }
0x73: {  	_ =	swait.ge @p0 [sflag:s13], $0x280  }
0x74: {  	[sflag:s13] =	ssyncset.done @p0 $0x0  }
0x75: {  	[sflag:s13] =	ssyncadd.s32 @p0 $0xFFFFFD80  }
0x76: {  	_ =	swait.ge @p0 [sflag:s13], $0x280  }
0x77: {  	[sflag:s13] =	ssyncset.done @p0 $0x0  }
0x78: {  	[sflag:s13] =	ssyncadd.s32 @p0 $0xFFFFFD80  }
0x79: {  	_ =	swait.ge @p0 [sflag:s13], $0x280  }
0x7a: {  	[sflag:s13] =	ssyncset.done @p0 $0x0  }
0x7b: {  	[sflag:s13] =	ssyncadd.s32 @p0 $0xFFFFFD80;
	s13 =	simm.s32 @!p0 $0xB  }
0x7c: {  	_ =	swait.ge @!p0 [sflag:s13], $0x400  }
0x7d: {  	[sflag:s13] =	ssyncset.done @!p0 $0x0  }
0x7e: {  	[sflag:s13] =	ssyncadd.s32 @!p0 $0xFFFFFC00  }
0x7f: {  	_ =	swait.ge @!p0 [sflag:s13], $0x400  }
0x80: {  	[sflag:s13] =	ssyncset.done @!p0 $0x0  }
0x81: {  	[sflag:s13] =	ssyncadd.s32 @!p0 $0xFFFFFC00  }
0x82: {  	_ =	swait.ge @!p0 [sflag:s13], $0x400  }
0x83: {  	[sflag:s13] =	ssyncset.done @!p0 $0x0  }
0x84: {  	[sflag:s13] =	ssyncadd.s32 @!p0 $0xFFFFFC00  }
0x85: {  	_ =	swait.ge @!p0 [sflag:s13], $0x400  }
0x86: {  	[sflag:s13] =	ssyncset.done @!p0 $0x0  }
0x87: {  	[sflag:s13] =	ssyncadd.s32 @!p0 $0xFFFFFC00  }
0x88: {  	s4 =	simm.s32 $0x1900;
	[bflag:$0x0] =	sbarrier.arrive $0xFFFF  }
0x89: {  	[tilespmem:s28], [sflag:$0x1] =	stream.indirect.gather [spmem:s1], $0x80, s4, s25, $0xb8;
	[tilespmem:$0x1F200] =	vst v63  }
0x8a: {  	s20 =	simm.s32 $0x1980;
	s21 =	simm.s32 $0x1A00  }
0x8b: {  	[tilespmem:s30], [sflag:$0x2] =	stream.indirect.gather [spmem:s1], $0x80, s20, s25, $0xb8;
	[tilespmem:$0x1F200] =	vst v63  }
0x8c: {  	s14 =	simm.s32 $0xFFFFFFFE;
	s13 =	simm.s32 $0x0;
	s16 =	rddreg [dreg:$0x13]  }
0x8d: {  	[tilespmem:s0], [sflag:$0x3] =	stream.indirect.gather [spmem:s1], $0x80, s21, s25, $0xb8;
	[tilespmem:$0x1F200] =	vst v63  }
.LBB2_4:
0x8e: {  	_ =	swait.ge [sflag:s26], $0x4000  }
0x8f: {  	p1 =	sgt.u32 s14, $0x2C;
	[sflag:s26] =	ssyncset.done $0x0  }
0x90: {  	s17 =	sadd.s32 $0xFFFFF000, s16;
	s4 =	simm.s32 @!p1 $0x9;
	[sflag:s26] =	ssyncadd.s32 $0xFFFFC000  }
0x91: {  	[hbm4b:s17+s2] =	stream.linear.scatter [tilespmem:s28], [sflag:$0x6], $0x4000, $0x38;
	[tilespmem:$0x1F200] =	vst v63  }
0x92: {  	_ =	swait.ge @!p1 [sflag:s4], $0x4000  }
0x93: {  	s17 =	sshra.s32 s13, $0x2;
	[sflag:s4] =	ssyncset.done @!p1 $0x0  }
0x94: {  	s21 =	sadd.s32 $0x1A80, s17;
	[sflag:s4] =	ssyncadd.s32 @!p1 $0xFFFFC000  }
0x95: {  	[tilespmem:s29], [sflag:$0x4] =	stream.indirect.gather [spmem:s1], $0x80, s21, s25, $0xb8;
	[tilespmem:$0x1F200] =	vst v63  }
0x96: {  	s19 =	sadd.s32 $0x1, s14;
	_ =	swait.ge [sflag:s3], $0x4000  }
0x97: {  	p1 =	sgt.u32 s19, $0x2C;
	[sflag:s3] =	ssyncset.done $0x0  }
0x98: {  	s18 =	sadd.s32 $0xFFFFF800, s16;
	s4 =	simm.s32 @!p1 $0xA;
	[sflag:s3] =	ssyncadd.s32 $0xFFFFC000  }
0x99: {  	[hbm4b:s18+s2] =	stream.linear.scatter [tilespmem:s30], [sflag:$0x7], $0x4000, $0x38;
	[tilespmem:$0x1F200] =	vst v63  }
0x9a: {  	_ =	swait.ge @!p1 [sflag:s4], $0x4000  }
0x9b: {  	[sflag:s4] =	ssyncset.done @!p1 $0x0  }
0x9c: {  	s20 =	sadd.s32 $0x1B00, s17;
	[sflag:s4] =	ssyncadd.s32 @!p1 $0xFFFFC000  }
0x9d: {  	[tilespmem:s31], [sflag:$0x5] =	stream.indirect.gather [spmem:s1], $0x80, s20, s25, $0xb8;
	[tilespmem:$0x1F200] =	vst v63  }
0x9e: {  	_ =	swait.ge [sflag:s5], $0x4000  }
0x9f: {  	p1 =	seq.s32 s13, $0x5A00;
	[sflag:s5] =	ssyncset.done $0x0  }
0xa0: {  	s4 =	simm.s32 @p1 $0x4;
	[sflag:s5] =	ssyncadd.s32 $0xFFFFC000  }
0xa1: {  	[hbm4b:s16+s2] =	stream.linear.scatter [tilespmem:s0], [sflag:$0x8], $0x4000, $0x38;
	[tilespmem:$0x1F200] =	vst v63  }
0xa2: {  	_ =	swait.ge @p1 [sflag:s4], $0x4000  }
0xa3: {  	[sflag:s4] =	ssyncset.done @p1 $0x0  }
0xa4: {  	s18 =	simm.s32 @p1 $0x17200;
	[sflag:s4] =	ssyncadd.s32 @p1 $0xFFFFC000;
	s4 =	simm.s32 @p1 $0x0  }
0xa5: {  	[hbm4b:s15+s4] =	stream.linear.scatter @p1 [tilespmem:s18], [sflag:$0x9], $0x4000, $0x38;
	[tilespmem:$0x1F200] =	vst v63  }
0xa6: {  	s4 =	simm.s32 @!p1 $0x6  }
0xa7: {  	_ =	swait.ge @!p1 [sflag:s4], $0x4000  }
0xa8: {  	[sflag:s4] =	ssyncset.done @!p1 $0x0  }
0xa9: {  	[sflag:s4] =	ssyncadd.s32 @!p1 $0xFFFFC000;
	s4 =	sshra.s32 @!p1 s13, $0x2  }
0xaa: {  	s19 =	simm.s32 @!p1 $0x80;
	s20 =	simm.s32 @!p1 $0xB200;
	s18 =	sadd.s32 @!p1 $0x1B80, s4  }
0xab: {  	[tilespmem:s20], [sflag:$0x1] =	stream.indirect.gather @!p1 [spmem:s1], $0x80, s18, s19, $0xb8;
	[tilespmem:$0x1F200] =	vst v63  }
0xac: {  	s18 =	simm.s32 @!p1 $0x4  }
0xad: {  	_ =	swait.ge @!p1 [sflag:s18], $0x4000  }
0xae: {  	s21 =	simm.s32 @!p1 $0x17200;
	[sflag:s18] =	ssyncset.done @!p1 $0x0  }
0xaf: {  	s20 =	simm.s32 @!p1 $0x0;
	[sflag:s18] =	ssyncadd.s32 @!p1 $0xFFFFC000;
	s18 =	sadd.s32 @!p1 $0x800, s16  }
0xb0: {  	[hbm4b:s18+s20] =	stream.linear.scatter @!p1 [tilespmem:s21], [sflag:$0x9], $0x4000, $0x38;
	[tilespmem:$0x1F200] =	vst v63  }
0xb1: {  	s18 =	simm.s32 @!p1 $0x7  }
0xb2: {  	_ =	swait.ge @!p1 [sflag:s18], $0x4000  }
0xb3: {  	[sflag:s18] =	ssyncset.done @!p1 $0x0  }
0xb4: {  	s4 =	sadd.s32 @!p1 $0x1C00, s4;
	[sflag:s18] =	ssyncadd.s32 @!p1 $0xFFFFC000;
	s18 =	simm.s32 @!p1 $0xF200  }
0xb5: {  	[tilespmem:s18], [sflag:$0x2] =	stream.indirect.gather @!p1 [spmem:s1], $0x80, s4, s19, $0xb8;
	[tilespmem:$0x1F200] =	vst v63  }
.Ltmp3:
0xb6: {  	_ = 	snop;
	(pc) =	sbr.rel @p1 .LBB2_6-.Ltmp3, $4  }
0xb7: {  	_ =	swait.ge [sflag:s6], $0x4000  }
0xb8: {  	[sflag:s6] =	ssyncset.done $0x0  }
0xb9: {  	s21 =	sadd.s32 $0x1000, s16;
	[sflag:s6] =	ssyncadd.s32 $0xFFFFC000  }
0xba: {  	[hbm4b:s21+s2] =	stream.linear.scatter [tilespmem:s31], [sflag:$0xA], $0x4000, $0x38;
	[tilespmem:$0x1F200] =	vst v63  }
.Ltmp4:
0xbb: {  	(pc) =	sbr.rel .LBB2_4-.Ltmp4, $4  }
0xbc: {  	_ =	swait.ge [sflag:s9], $0x4000  }
0xbd: {  	s4 =	sadd.s32 $0x1C80, s17;
	s13 =	sadd.s32 $0xA00, s13;
	[sflag:s9] =	ssyncset.done $0x0  }
0xbe: {  	s16 =	sadd.s32 $0x2800, s16;
	s14 =	sadd.s32 $0x5, s14;
	[sflag:s9] =	ssyncadd.s32 $0xFFFFC000  }
0xbf: {  	[tilespmem:s0], [sflag:$0x3] =	stream.indirect.gather [spmem:s1], $0x80, s4, s25, $0xb8;
	[tilespmem:$0x1F200] =	vst v63  }
.LBB2_7:
0xc0: {  	_ =	sfence.sel $0x180000  }
0xc1: {  	[bflag:$0x0] =	sbarrier.arrive $0xFFFF  }
0xc2: {  	_ =	strace $0x90000047  }
0xc3: {  	s0 =	stileid.u32;
	[bflag:$0x2] =	sbarrier.arrive $0xFFFF  }
0xc4: {  	p0 =	sne.s32 s0, $0x0;
	s0 =	rddreg [dreg:$0x7]  }
0xc5: {  	s0 =	sadd.s32 @!p0 $0x100000, s0  }
0xc6: {  	[sflag:s0] =	ssyncadd.tile.s32 @!p0 $0x1;
	_ =	shalt  }
.Lfunc_end2:
_tile_overlayer_lowered:
.L_overlay_start_2:
0xc7: {  	(tag) =	ssettag $0x2  }
0xc8: {  	s0 =	rddreg [dreg:$0x0];
	s2 =	stileid.u32  }
0xc9: {  	s1 =	rddreg [dreg:$0x1];
	p0 =	sne.s32 s2, $0x0  }
0xca: {  	s3 =	rddreg [dreg:$0x2];
	[bflag:$0x3] =	sbarrier.arrive $0xFFFF;
	s2 =	simm.s32 @!p0 $0x1C0C  }
0xcb: {  	[timem:s3], [sflag:s2] =	dma.local @!p0 [hbm:s0], s1  }
0xcc: {  	s0 =	simm.s32 @!p0 $0xC  }
0xcd: {  	_ =	swait.ge @!p0 [sflag:s0], s1  }
0xce: {  	s1 =	ssub.s32 @!p0 $0x0, s1;
	[sflag:s0] =	ssyncset.done @!p0 $0x0  }
0xcf: {  	[sflag:s0] =	ssyncadd.s32 @!p0 s1  }
0xd0: {  	[bflag:$0x3] =	sbarrier.arrive $0xFFFF  }
0xd1: {  	_ =	shalt  }

</sc_bundles>
